<compile_context>
chip_gen: v7x
topology: tpu7x:2x2x1
jax: 0.10.2.dev20260603
libtpu: 0.0.44.dev20260713+nightly
codegen_flags: <defaults>
</compile_context>

<pallas_src>
import functools

import jax
import jax.numpy as jnp
from jax import lax
from jax.experimental import pallas as pl
from jax.experimental.pallas import tpu as pltpu
from jax.experimental.pallas import tpu_sc as plsc

BATCH = 4096
SEQ = 200
HIDDEN = 64

NC = 2
NS = 16
NW = NC * NS

PER_W = BATCH // NW
SPLIT = 104
NBUF = 4
NITER = PER_W // NBUF


_mesh = plsc.VectorSubcoreMesh(
    core_axis_name="c", subcore_axis_name="s", num_cores=NC, num_subcores=NS
)


@functools.partial(
    pl.kernel,
    out_type=jax.ShapeDtypeStruct((BATCH * SEQ, 128), jnp.float32),
    mesh=_mesh,
    compiler_params=pltpu.CompilerParams(use_tc_tiling_on_sc=False),
    scratch_types=[
        pltpu.VMEM((PER_W, SEQ), jnp.int32),
        pltpu.VMEM((NBUF, SEQ, HIDDEN), jnp.float32),
        pltpu.SemaphoreType.DMA,
        pltpu.SemaphoreType.DMA,
    ],
)
def _sc_gather(x_hbm, table_hbm, out_hbm, idx_v, bufs, sem_g, sem_s):
    wid = lax.axis_index("s") * NC + lax.axis_index("c")
    base = wid * PER_W

    pltpu.sync_copy(x_hbm.at[pl.ds(base, PER_W)], idx_v)

    def gather_a(j, b):
        return pltpu.make_async_copy(
            table_hbm.at[idx_v.at[j, pl.ds(0, SPLIT)]],
            bufs.at[b, pl.ds(0, SPLIT)], sem_g,
        )

    def gather_b(j, b):
        return pltpu.make_async_copy(
            table_hbm.at[idx_v.at[j, pl.ds(SPLIT, SEQ - SPLIT)]],
            bufs.at[b, pl.ds(SPLIT, SEQ - SPLIT)], sem_g,
        )

    def store_copy(j, b):
        return pltpu.make_async_copy(
            bufs.at[b],
            out_hbm.at[pl.ds((base + j) * SEQ, SEQ), pl.ds(0, HIDDEN)],
            sem_s,
        )

    for b in range(NBUF):
        gather_a(b, b).start()
        gather_b(b, b).start()

    def body(g, carry):
        j0 = g * NBUF
        for b in range(NBUF):
            gather_a(j0 + b, b).wait()
            gather_b(j0 + b, b).wait()
            store_copy(j0 + b, b).start()
        for b in range(NBUF):
            store_copy(j0 + b, b).wait()

            @pl.when(g + 1 < NITER)
            def _():
                gather_a(j0 + NBUF + b, b).start()
                gather_b(j0 + NBUF + b, b).start()

        return carry

    lax.fori_loop(0, NITER, body, 0)


def kernel(x, emb_table):
    wide = _sc_gather(x, emb_table)
    return wide.reshape(BATCH, SEQ, 128)[:, :, :HIDDEN]

# --- scband reference (transcript-rebuilt; emitter-appended) ---
"""Pipeline reference for scband-rnnfamily-29360396435532 (READ-ONLY COPY).

The authoritative reference and input builder live on the scoring server;
editing this copy changes nothing except your own understanding.
"""

import jax, jax.numpy as jnp
import numpy as np

VOCAB = 1000000
HIDDEN = 64
BATCH = 4096
SEQ = 200

def setup_inputs(seed: int = 0) -> dict:
    key = jax.random.key(seed)
    k_idx, k_emb = jax.random.split(key)
    x = jax.random.randint(k_idx, (BATCH, SEQ), 0, VOCAB, dtype=jnp.int64 if jax.config.jax_enable_x64 else jnp.int32)
    emb_table = jax.random.normal(k_emb, (VOCAB, HIDDEN), dtype=jnp.float32) * 0.02
    return {"x": x, "emb_table": emb_table}

def reference(x, emb_table):
    # torch.nn.Embedding lookup: (N, L) -> (N, L, H)
    h = jnp.take(emb_table, x, axis=0)
    # cells is an empty torch.nn.Sequential() -> identity
    return h

if __name__ == "__main__":
    import jax
    _d = setup_inputs()
    print(jax.jit(kernel)(*tuple(_d.values())))

</pallas_src>

<mosaic_0001>
#map = affine_map<(d0, d1) -> (0, 0)>
module attributes {stable_mosaic.version = 14 : i64} {
  func.func @_sc_gather(%arg0: i32, %arg1: i32, %arg2: memref<4096x200xi32, #tpu.memory_space<hbm>>, %arg3: memref<1000000x64xf32, #tpu.memory_space<hbm>>, %arg4: memref<819200x128xf32, #tpu.memory_space<hbm>>, %arg5: memref<128x200xi32, #tpu.memory_space<vmem>>, %arg6: memref<4x200x64xf32, #tpu.memory_space<vmem>>, %arg7: memref<!tpu.dma_semaphore, #tpu.memory_space<semaphore_mem>>, %arg8: memref<!tpu.dma_semaphore, #tpu.memory_space<semaphore_mem>>) attributes {dimension_semantics = [#tpu.dimension_semantics<core_parallel>, #tpu.dimension_semantics<subcore_parallel>], iteration_bounds = array<i64: 2, 16>, scalar_prefetch = 0 : i64, scratch_operands = 4 : i64, tpu.core_type = #tpu.core_type<sc_vector_subcore>, window_params = [{transform_indices = #map}, {transform_indices = #map}, {transform_indices = #map}]} {
    %mul3A = arith.constant 2 : i32
    %mul3A_0 = arith.muli %arg1, %mul3A : i32
    %add3A = arith.addi %mul3A_0, %arg0 : i32
    %mul3A_1 = arith.constant 128 : i32
    %mul3A_2 = arith.muli %add3A, %mul3A_1 : i32
    "tpu.region"() ({
      %run_scoped3A = tpu.sem_alloc : memref<!tpu.dma_semaphore, #tpu.memory_space<semaphore_mem>>
      %dma_start3A_103 = arith.constant 0 : i32
      %dma_start3A_104 = tpu.memref_slice %arg2[%mul3A_2, %dma_start3A_103] : memref<4096x200xi32, #tpu.memory_space<hbm>> -> memref<128x200xi32, #tpu.memory_space<hbm>>
      %dma_start3A_105 = arith.constant 0 : i32
      %dma_start3A_106 = tpu.memref_slice %arg2[%mul3A_2, %dma_start3A_105] : memref<4096x200xi32, #tpu.memory_space<hbm>> -> memref<128x200xi32, #tpu.memory_space<hbm>>
      tpu.enqueue_dma source(%dma_start3A_106 : memref<128x200xi32, #tpu.memory_space<hbm>>) target(%arg5 : memref<128x200xi32, #tpu.memory_space<vmem>>) target_semaphore(%run_scoped3A : memref<!tpu.dma_semaphore, #tpu.memory_space<semaphore_mem>>)
      %dma_wait3A = arith.constant 0 : i32
      %dma_wait3A_107 = tpu.memref_slice %arg2[%mul3A_2, %dma_wait3A] : memref<4096x200xi32, #tpu.memory_space<hbm>> -> memref<128x200xi32, #tpu.memory_space<hbm>>
      %dma_wait3A_108 = arith.constant 0 : i32
      %dma_wait3A_109 = tpu.memref_slice %arg2[%mul3A_2, %dma_wait3A_108] : memref<4096x200xi32, #tpu.memory_space<hbm>> -> memref<128x200xi32, #tpu.memory_space<hbm>>
      tpu.wait_dma2 semaphore(%run_scoped3A : memref<!tpu.dma_semaphore, #tpu.memory_space<semaphore_mem>>) src(%dma_wait3A_109 : memref<128x200xi32, #tpu.memory_space<hbm>>) dst(%arg5 : memref<128x200xi32, #tpu.memory_space<vmem>>)
      tpu.yield
    }) : () -> ()
    %dma_start3A = arith.constant 0 : i32
    %dma_start3A_3 = arith.constant 0 : i32
    %dma_start3A_4 = arith.constant 0 : i32
    %dma_start3A_5 = arith.constant 0 : i32
    %dma_start3A_6 = tpu.memref_slice %arg6[%dma_start3A_3, %dma_start3A_4, %dma_start3A_5] : memref<4x200x64xf32, #tpu.memory_space<vmem>> -> memref<1x104x64xf32, #tpu.memory_space<vmem>>
    %dma_start3A_7 = tpu.memref_squeeze %dma_start3A_6 : memref<1x104x64xf32, #tpu.memory_space<vmem>> -> memref<104x64xf32, #tpu.memory_space<vmem>>
    %dma_start3A_8 = arith.constant 0 : i32
    %dma_start3A_9 = tpu.memref_slice %arg5[%dma_start3A, %dma_start3A_8] : memref<128x200xi32, #tpu.memory_space<vmem>> -> memref<1x104xi32, #tpu.memory_space<vmem>>
    %dma_start3A_10 = tpu.memref_squeeze %dma_start3A_9 : memref<1x104xi32, #tpu.memory_space<vmem>> -> memref<104xi32, #tpu.memory_space<vmem>>
    %dma_start3A_11 = arith.constant 0 : i32
    %dma_start3A_12 = arith.constant 0 : i32
    %dma_start3A_13 = tpu.memref_slice %arg3[%dma_start3A_11, %dma_start3A_12] : memref<1000000x64xf32, #tpu.memory_space<hbm>> -> memref<1000000x64xf32, #tpu.memory_space<hbm>>
    tpu.enqueue_indirect_dma source(%dma_start3A_13 : memref<1000000x64xf32, #tpu.memory_space<hbm>>) target(%dma_start3A_7 : memref<104x64xf32, #tpu.memory_space<vmem>>) offsets(%dma_start3A_10 : memref<104xi32, #tpu.memory_space<vmem>>) semaphore(%arg7 : memref<!tpu.dma_semaphore, #tpu.memory_space<semaphore_mem>>)
    %dma_start3A_14 = arith.constant 0 : i32
    %dma_start3A_15 = arith.constant 0 : i32
    %dma_start3A_16 = arith.constant 104 : i32
    %dma_start3A_17 = arith.constant 0 : i32
    %dma_start3A_18 = tpu.memref_slice %arg6[%dma_start3A_15, %dma_start3A_16, %dma_start3A_17] : memref<4x200x64xf32, #tpu.memory_space<vmem>> -> memref<1x96x64xf32, #tpu.memory_space<vmem>>
    %dma_start3A_19 = tpu.memref_squeeze %dma_start3A_18 : memref<1x96x64xf32, #tpu.memory_space<vmem>> -> memref<96x64xf32, #tpu.memory_space<vmem>>
    %dma_start3A_20 = arith.constant 104 : i32
    %dma_start3A_21 = tpu.memref_slice %arg5[%dma_start3A_14, %dma_start3A_20] : memref<128x200xi32, #tpu.memory_space<vmem>> -> memref<1x96xi32, #tpu.memory_space<vmem>>
    %dma_start3A_22 = tpu.memref_squeeze %dma_start3A_21 : memref<1x96xi32, #tpu.memory_space<vmem>> -> memref<96xi32, #tpu.memory_space<vmem>>
    %dma_start3A_23 = arith.constant 0 : i32
    %dma_start3A_24 = arith.constant 0 : i32
    %dma_start3A_25 = tpu.memref_slice %arg3[%dma_start3A_23, %dma_start3A_24] : memref<1000000x64xf32, #tpu.memory_space<hbm>> -> memref<1000000x64xf32, #tpu.memory_space<hbm>>
    tpu.enqueue_indirect_dma source(%dma_start3A_25 : memref<1000000x64xf32, #tpu.memory_space<hbm>>) target(%dma_start3A_19 : memref<96x64xf32, #tpu.memory_space<vmem>>) offsets(%dma_start3A_22 : memref<96xi32, #tpu.memory_space<vmem>>) semaphore(%arg7 : memref<!tpu.dma_semaphore, #tpu.memory_space<semaphore_mem>>)
    %dma_start3A_26 = arith.constant 1 : i32
    %dma_start3A_27 = arith.constant 1 : i32
    %dma_start3A_28 = arith.constant 0 : i32
    %dma_start3A_29 = arith.constant 0 : i32
    %dma_start3A_30 = tpu.memref_slice %arg6[%dma_start3A_27, %dma_start3A_28, %dma_start3A_29] : memref<4x200x64xf32, #tpu.memory_space<vmem>> -> memref<1x104x64xf32, #tpu.memory_space<vmem>>
    %dma_start3A_31 = tpu.memref_squeeze %dma_start3A_30 : memref<1x104x64xf32, #tpu.memory_space<vmem>> -> memref<104x64xf32, #tpu.memory_space<vmem>>
    %dma_start3A_32 = arith.constant 0 : i32
    %dma_start3A_33 = tpu.memref_slice %arg5[%dma_start3A_26, %dma_start3A_32] : memref<128x200xi32, #tpu.memory_space<vmem>> -> memref<1x104xi32, #tpu.memory_space<vmem>>
    %dma_start3A_34 = tpu.memref_squeeze %dma_start3A_33 : memref<1x104xi32, #tpu.memory_space<vmem>> -> memref<104xi32, #tpu.memory_space<vmem>>
    %dma_start3A_35 = arith.constant 0 : i32
    %dma_start3A_36 = arith.constant 0 : i32
    %dma_start3A_37 = tpu.memref_slice %arg3[%dma_start3A_35, %dma_start3A_36] : memref<1000000x64xf32, #tpu.memory_space<hbm>> -> memref<1000000x64xf32, #tpu.memory_space<hbm>>
    tpu.enqueue_indirect_dma source(%dma_start3A_37 : memref<1000000x64xf32, #tpu.memory_space<hbm>>) target(%dma_start3A_31 : memref<104x64xf32, #tpu.memory_space<vmem>>) offsets(%dma_start3A_34 : memref<104xi32, #tpu.memory_space<vmem>>) semaphore(%arg7 : memref<!tpu.dma_semaphore, #tpu.memory_space<semaphore_mem>>)
    %dma_start3A_38 = arith.constant 1 : i32
    %dma_start3A_39 = arith.constant 1 : i32
    %dma_start3A_40 = arith.constant 104 : i32
    %dma_start3A_41 = arith.constant 0 : i32
    %dma_start3A_42 = tpu.memref_slice %arg6[%dma_start3A_39, %dma_start3A_40, %dma_start3A_41] : memref<4x200x64xf32, #tpu.memory_space<vmem>> -> memref<1x96x64xf32, #tpu.memory_space<vmem>>
    %dma_start3A_43 = tpu.memref_squeeze %dma_start3A_42 : memref<1x96x64xf32, #tpu.memory_space<vmem>> -> memref<96x64xf32, #tpu.memory_space<vmem>>
    %dma_start3A_44 = arith.constant 104 : i32
    %dma_start3A_45 = tpu.memref_slice %arg5[%dma_start3A_38, %dma_start3A_44] : memref<128x200xi32, #tpu.memory_space<vmem>> -> memref<1x96xi32, #tpu.memory_space<vmem>>
    %dma_start3A_46 = tpu.memref_squeeze %dma_start3A_45 : memref<1x96xi32, #tpu.memory_space<vmem>> -> memref<96xi32, #tpu.memory_space<vmem>>
    %dma_start3A_47 = arith.constant 0 : i32
    %dma_start3A_48 = arith.constant 0 : i32
    %dma_start3A_49 = tpu.memref_slice %arg3[%dma_start3A_47, %dma_start3A_48] : memref<1000000x64xf32, #tpu.memory_space<hbm>> -> memref<1000000x64xf32, #tpu.memory_space<hbm>>
    tpu.enqueue_indirect_dma source(%dma_start3A_49 : memref<1000000x64xf32, #tpu.memory_space<hbm>>) target(%dma_start3A_43 : memref<96x64xf32, #tpu.memory_space<vmem>>) offsets(%dma_start3A_46 : memref<96xi32, #tpu.memory_space<vmem>>) semaphore(%arg7 : memref<!tpu.dma_semaphore, #tpu.memory_space<semaphore_mem>>)
    %dma_start3A_50 = arith.constant 2 : i32
    %dma_start3A_51 = arith.constant 2 : i32
    %dma_start3A_52 = arith.constant 0 : i32
    %dma_start3A_53 = arith.constant 0 : i32
    %dma_start3A_54 = tpu.memref_slice %arg6[%dma_start3A_51, %dma_start3A_52, %dma_start3A_53] : memref<4x200x64xf32, #tpu.memory_space<vmem>> -> memref<1x104x64xf32, #tpu.memory_space<vmem>>
    %dma_start3A_55 = tpu.memref_squeeze %dma_start3A_54 : memref<1x104x64xf32, #tpu.memory_space<vmem>> -> memref<104x64xf32, #tpu.memory_space<vmem>>
    %dma_start3A_56 = arith.constant 0 : i32
    %dma_start3A_57 = tpu.memref_slice %arg5[%dma_start3A_50, %dma_start3A_56] : memref<128x200xi32, #tpu.memory_space<vmem>> -> memref<1x104xi32, #tpu.memory_space<vmem>>
    %dma_start3A_58 = tpu.memref_squeeze %dma_start3A_57 : memref<1x104xi32, #tpu.memory_space<vmem>> -> memref<104xi32, #tpu.memory_space<vmem>>
    %dma_start3A_59 = arith.constant 0 : i32
    %dma_start3A_60 = arith.constant 0 : i32
    %dma_start3A_61 = tpu.memref_slice %arg3[%dma_start3A_59, %dma_start3A_60] : memref<1000000x64xf32, #tpu.memory_space<hbm>> -> memref<1000000x64xf32, #tpu.memory_space<hbm>>
    tpu.enqueue_indirect_dma source(%dma_start3A_61 : memref<1000000x64xf32, #tpu.memory_space<hbm>>) target(%dma_start3A_55 : memref<104x64xf32, #tpu.memory_space<vmem>>) offsets(%dma_start3A_58 : memref<104xi32, #tpu.memory_space<vmem>>) semaphore(%arg7 : memref<!tpu.dma_semaphore, #tpu.memory_space<semaphore_mem>>)
    %dma_start3A_62 = arith.constant 2 : i32
    %dma_start3A_63 = arith.constant 2 : i32
    %dma_start3A_64 = arith.constant 104 : i32
    %dma_start3A_65 = arith.constant 0 : i32
    %dma_start3A_66 = tpu.memref_slice %arg6[%dma_start3A_63, %dma_start3A_64, %dma_start3A_65] : memref<4x200x64xf32, #tpu.memory_space<vmem>> -> memref<1x96x64xf32, #tpu.memory_space<vmem>>
    %dma_start3A_67 = tpu.memref_squeeze %dma_start3A_66 : memref<1x96x64xf32, #tpu.memory_space<vmem>> -> memref<96x64xf32, #tpu.memory_space<vmem>>
    %dma_start3A_68 = arith.constant 104 : i32
    %dma_start3A_69 = tpu.memref_slice %arg5[%dma_start3A_62, %dma_start3A_68] : memref<128x200xi32, #tpu.memory_space<vmem>> -> memref<1x96xi32, #tpu.memory_space<vmem>>
    %dma_start3A_70 = tpu.memref_squeeze %dma_start3A_69 : memref<1x96xi32, #tpu.memory_space<vmem>> -> memref<96xi32, #tpu.memory_space<vmem>>
    %dma_start3A_71 = arith.constant 0 : i32
    %dma_start3A_72 = arith.constant 0 : i32
    %dma_start3A_73 = tpu.memref_slice %arg3[%dma_start3A_71, %dma_start3A_72] : memref<1000000x64xf32, #tpu.memory_space<hbm>> -> memref<1000000x64xf32, #tpu.memory_space<hbm>>
    tpu.enqueue_indirect_dma source(%dma_start3A_73 : memref<1000000x64xf32, #tpu.memory_space<hbm>>) target(%dma_start3A_67 : memref<96x64xf32, #tpu.memory_space<vmem>>) offsets(%dma_start3A_70 : memref<96xi32, #tpu.memory_space<vmem>>) semaphore(%arg7 : memref<!tpu.dma_semaphore, #tpu.memory_space<semaphore_mem>>)
    %dma_start3A_74 = arith.constant 3 : i32
    %dma_start3A_75 = arith.constant 3 : i32
    %dma_start3A_76 = arith.constant 0 : i32
    %dma_start3A_77 = arith.constant 0 : i32
    %dma_start3A_78 = tpu.memref_slice %arg6[%dma_start3A_75, %dma_start3A_76, %dma_start3A_77] : memref<4x200x64xf32, #tpu.memory_space<vmem>> -> memref<1x104x64xf32, #tpu.memory_space<vmem>>
    %dma_start3A_79 = tpu.memref_squeeze %dma_start3A_78 : memref<1x104x64xf32, #tpu.memory_space<vmem>> -> memref<104x64xf32, #tpu.memory_space<vmem>>
    %dma_start3A_80 = arith.constant 0 : i32
    %dma_start3A_81 = tpu.memref_slice %arg5[%dma_start3A_74, %dma_start3A_80] : memref<128x200xi32, #tpu.memory_space<vmem>> -> memref<1x104xi32, #tpu.memory_space<vmem>>
    %dma_start3A_82 = tpu.memref_squeeze %dma_start3A_81 : memref<1x104xi32, #tpu.memory_space<vmem>> -> memref<104xi32, #tpu.memory_space<vmem>>
    %dma_start3A_83 = arith.constant 0 : i32
    %dma_start3A_84 = arith.constant 0 : i32
    %dma_start3A_85 = tpu.memref_slice %arg3[%dma_start3A_83, %dma_start3A_84] : memref<1000000x64xf32, #tpu.memory_space<hbm>> -> memref<1000000x64xf32, #tpu.memory_space<hbm>>
    tpu.enqueue_indirect_dma source(%dma_start3A_85 : memref<1000000x64xf32, #tpu.memory_space<hbm>>) target(%dma_start3A_79 : memref<104x64xf32, #tpu.memory_space<vmem>>) offsets(%dma_start3A_82 : memref<104xi32, #tpu.memory_space<vmem>>) semaphore(%arg7 : memref<!tpu.dma_semaphore, #tpu.memory_space<semaphore_mem>>)
    %dma_start3A_86 = arith.constant 3 : i32
    %dma_start3A_87 = arith.constant 3 : i32
    %dma_start3A_88 = arith.constant 104 : i32
    %dma_start3A_89 = arith.constant 0 : i32
    %dma_start3A_90 = tpu.memref_slice %arg6[%dma_start3A_87, %dma_start3A_88, %dma_start3A_89] : memref<4x200x64xf32, #tpu.memory_space<vmem>> -> memref<1x96x64xf32, #tpu.memory_space<vmem>>
    %dma_start3A_91 = tpu.memref_squeeze %dma_start3A_90 : memref<1x96x64xf32, #tpu.memory_space<vmem>> -> memref<96x64xf32, #tpu.memory_space<vmem>>
    %dma_start3A_92 = arith.constant 104 : i32
    %dma_start3A_93 = tpu.memref_slice %arg5[%dma_start3A_86, %dma_start3A_92] : memref<128x200xi32, #tpu.memory_space<vmem>> -> memref<1x96xi32, #tpu.memory_space<vmem>>
    %dma_start3A_94 = tpu.memref_squeeze %dma_start3A_93 : memref<1x96xi32, #tpu.memory_space<vmem>> -> memref<96xi32, #tpu.memory_space<vmem>>
    %dma_start3A_95 = arith.constant 0 : i32
    %dma_start3A_96 = arith.constant 0 : i32
    %dma_start3A_97 = tpu.memref_slice %arg3[%dma_start3A_95, %dma_start3A_96] : memref<1000000x64xf32, #tpu.memory_space<hbm>> -> memref<1000000x64xf32, #tpu.memory_space<hbm>>
    tpu.enqueue_indirect_dma source(%dma_start3A_97 : memref<1000000x64xf32, #tpu.memory_space<hbm>>) target(%dma_start3A_91 : memref<96x64xf32, #tpu.memory_space<vmem>>) offsets(%dma_start3A_94 : memref<96xi32, #tpu.memory_space<vmem>>) semaphore(%arg7 : memref<!tpu.dma_semaphore, #tpu.memory_space<semaphore_mem>>)
    %scan3A = arith.constant 0 : i32
    %scan3A_98 = arith.constant 0 : i32
    %scan3A_99 = arith.constant 32 : i32
    %scan3A_100 = arith.addi %scan3A_98, %scan3A_99 : i32
    %scan3A_101 = arith.constant 1 : i32
    scf.for %scan3A_103 = %scan3A_98 to %scan3A_100 step %scan3A_101  : i32 {
      %mul3A_104 = arith.constant 4 : i32
      %mul3A_105 = arith.muli %scan3A_103, %mul3A_104 : i32
      %add3A_106 = arith.constant 0 : i32
      %add3A_107 = arith.addi %mul3A_105, %add3A_106 : i32
      %dma_wait3A = arith.constant 0 : i32
      %dma_wait3A_108 = arith.constant 0 : i32
      %dma_wait3A_109 = arith.constant 0 : i32
      %dma_wait3A_110 = tpu.memref_slice %arg6[%dma_wait3A, %dma_wait3A_108, %dma_wait3A_109] : memref<4x200x64xf32, #tpu.memory_space<vmem>> -> memref<1x104x64xf32, #tpu.memory_space<vmem>>
      %dma_wait3A_111 = tpu.memref_squeeze %dma_wait3A_110 : memref<1x104x64xf32, #tpu.memory_space<vmem>> -> memref<104x64xf32, #tpu.memory_space<vmem>>
      %dma_wait3A_112 = arith.constant 0 : i32
      %dma_wait3A_113 = tpu.memref_slice %arg5[%add3A_107, %dma_wait3A_112] : memref<128x200xi32, #tpu.memory_space<vmem>> -> memref<1x104xi32, #tpu.memory_space<vmem>>
      %dma_wait3A_114 = tpu.memref_squeeze %dma_wait3A_113 : memref<1x104xi32, #tpu.memory_space<vmem>> -> memref<104xi32, #tpu.memory_space<vmem>>
      %dma_wait3A_115 = arith.constant 0 : i32
      %dma_wait3A_116 = arith.constant 0 : i32
      %dma_wait3A_117 = tpu.memref_slice %arg3[%dma_wait3A_115, %dma_wait3A_116] : memref<1000000x64xf32, #tpu.memory_space<hbm>> -> memref<1000000x64xf32, #tpu.memory_space<hbm>>
      tpu.wait_indirect_dma semaphore(%arg7 : memref<!tpu.dma_semaphore, #tpu.memory_space<semaphore_mem>>) src(%dma_wait3A_117 : memref<1000000x64xf32, #tpu.memory_space<hbm>>) dst(%dma_wait3A_111 : memref<104x64xf32, #tpu.memory_space<vmem>>)
      %add3A_118 = arith.constant 0 : i32
      %add3A_119 = arith.addi %mul3A_105, %add3A_118 : i32
      %dma_wait3A_120 = arith.constant 0 : i32
      %dma_wait3A_121 = arith.constant 104 : i32
      %dma_wait3A_122 = arith.constant 0 : i32
      %dma_wait3A_123 = tpu.memref_slice %arg6[%dma_wait3A_120, %dma_wait3A_121, %dma_wait3A_122] : memref<4x200x64xf32, #tpu.memory_space<vmem>> -> memref<1x96x64xf32, #tpu.memory_space<vmem>>
      %dma_wait3A_124 = tpu.memref_squeeze %dma_wait3A_123 : memref<1x96x64xf32, #tpu.memory_space<vmem>> -> memref<96x64xf32, #tpu.memory_space<vmem>>
      %dma_wait3A_125 = arith.constant 104 : i32
      %dma_wait3A_126 = tpu.memref_slice %arg5[%add3A_119, %dma_wait3A_125] : memref<128x200xi32, #tpu.memory_space<vmem>> -> memref<1x96xi32, #tpu.memory_space<vmem>>
      %dma_wait3A_127 = tpu.memref_squeeze %dma_wait3A_126 : memref<1x96xi32, #tpu.memory_space<vmem>> -> memref<96xi32, #tpu.memory_space<vmem>>
      %dma_wait3A_128 = arith.constant 0 : i32
      %dma_wait3A_129 = arith.constant 0 : i32
      %dma_wait3A_130 = tpu.memref_slice %arg3[%dma_wait3A_128, %dma_wait3A_129] : memref<1000000x64xf32, #tpu.memory_space<hbm>> -> memref<1000000x64xf32, #tpu.memory_space<hbm>>
      tpu.wait_indirect_dma semaphore(%arg7 : memref<!tpu.dma_semaphore, #tpu.memory_space<semaphore_mem>>) src(%dma_wait3A_130 : memref<1000000x64xf32, #tpu.memory_space<hbm>>) dst(%dma_wait3A_124 : memref<96x64xf32, #tpu.memory_space<vmem>>)
      %add3A_131 = arith.constant 0 : i32
      %add3A_132 = arith.addi %mul3A_105, %add3A_131 : i32
      %add3A_133 = arith.addi %mul3A_2, %add3A_132 : i32
      %mul3A_134 = arith.constant 200 : i32
      %mul3A_135 = arith.muli %add3A_133, %mul3A_134 : i32
      %dma_start3A_136 = arith.constant 0 : i32
      %dma_start3A_137 = arith.constant 0 : i32
      %dma_start3A_138 = arith.constant 0 : i32
      %dma_start3A_139 = tpu.memref_slice %arg6[%dma_start3A_136, %dma_start3A_137, %dma_start3A_138] : memref<4x200x64xf32, #tpu.memory_space<vmem>> -> memref<1x200x64xf32, #tpu.memory_space<vmem>>
      %dma_start3A_140 = tpu.memref_squeeze %dma_start3A_139 : memref<1x200x64xf32, #tpu.memory_space<vmem>> -> memref<200x64xf32, #tpu.memory_space<vmem>>
      %dma_start3A_141 = arith.constant 0 : i32
      %dma_start3A_142 = tpu.memref_slice %arg4[%mul3A_135, %dma_start3A_141] : memref<819200x128xf32, #tpu.memory_space<hbm>> -> memref<200x64xf32, #tpu.memory_space<hbm>>
      %dma_start3A_143 = arith.constant 0 : i32
      %dma_start3A_144 = tpu.memref_slice %arg4[%mul3A_135, %dma_start3A_143] : memref<819200x128xf32, #tpu.memory_space<hbm>> -> memref<200x64xf32, #tpu.memory_space<hbm>>
      %dma_start3A_145 = arith.constant 0 : i32
      %dma_start3A_146 = arith.constant 0 : i32
      %dma_start3A_147 = tpu.memref_slice %arg6[%dma_start3A_136, %dma_start3A_145, %dma_start3A_146] : memref<4x200x64xf32, #tpu.memory_space<vmem>> -> memref<1x200x64xf32, #tpu.memory_space<vmem>>
      %dma_start3A_148 = tpu.memref_squeeze %dma_start3A_147 : memref<1x200x64xf32, #tpu.memory_space<vmem>> -> memref<200x64xf32, #tpu.memory_space<vmem>>
      tpu.enqueue_dma source(%dma_start3A_148 : memref<200x64xf32, #tpu.memory_space<vmem>>) target(%dma_start3A_144 : memref<200x64xf32, #tpu.memory_space<hbm>>) target_semaphore(%arg8 : memref<!tpu.dma_semaphore, #tpu.memory_space<semaphore_mem>>)
      %add3A_149 = arith.constant 1 : i32
      %add3A_150 = arith.addi %mul3A_105, %add3A_149 : i32
      %dma_wait3A_151 = arith.constant 1 : i32
      %dma_wait3A_152 = arith.constant 0 : i32
      %dma_wait3A_153 = arith.constant 0 : i32
      %dma_wait3A_154 = tpu.memref_slice %arg6[%dma_wait3A_151, %dma_wait3A_152, %dma_wait3A_153] : memref<4x200x64xf32, #tpu.memory_space<vmem>> -> memref<1x104x64xf32, #tpu.memory_space<vmem>>
      %dma_wait3A_155 = tpu.memref_squeeze %dma_wait3A_154 : memref<1x104x64xf32, #tpu.memory_space<vmem>> -> memref<104x64xf32, #tpu.memory_space<vmem>>
      %dma_wait3A_156 = arith.constant 0 : i32
      %dma_wait3A_157 = tpu.memref_slice %arg5[%add3A_150, %dma_wait3A_156] : memref<128x200xi32, #tpu.memory_space<vmem>> -> memref<1x104xi32, #tpu.memory_space<vmem>>
      %dma_wait3A_158 = tpu.memref_squeeze %dma_wait3A_157 : memref<1x104xi32, #tpu.memory_space<vmem>> -> memref<104xi32, #tpu.memory_space<vmem>>
      %dma_wait3A_159 = arith.constant 0 : i32
      %dma_wait3A_160 = arith.constant 0 : i32
      %dma_wait3A_161 = tpu.memref_slice %arg3[%dma_wait3A_159, %dma_wait3A_160] : memref<1000000x64xf32, #tpu.memory_space<hbm>> -> memref<1000000x64xf32, #tpu.memory_space<hbm>>
      tpu.wait_indirect_dma semaphore(%arg7 : memref<!tpu.dma_semaphore, #tpu.memory_space<semaphore_mem>>) src(%dma_wait3A_161 : memref<1000000x64xf32, #tpu.memory_space<hbm>>) dst(%dma_wait3A_155 : memref<104x64xf32, #tpu.memory_space<vmem>>)
      %add3A_162 = arith.constant 1 : i32
      %add3A_163 = arith.addi %mul3A_105, %add3A_162 : i32
      %dma_wait3A_164 = arith.constant 1 : i32
      %dma_wait3A_165 = arith.constant 104 : i32
      %dma_wait3A_166 = arith.constant 0 : i32
      %dma_wait3A_167 = tpu.memref_slice %arg6[%dma_wait3A_164, %dma_wait3A_165, %dma_wait3A_166] : memref<4x200x64xf32, #tpu.memory_space<vmem>> -> memref<1x96x64xf32, #tpu.memory_space<vmem>>
      %dma_wait3A_168 = tpu.memref_squeeze %dma_wait3A_167 : memref<1x96x64xf32, #tpu.memory_space<vmem>> -> memref<96x64xf32, #tpu.memory_space<vmem>>
      %dma_wait3A_169 = arith.constant 104 : i32
      %dma_wait3A_170 = tpu.memref_slice %arg5[%add3A_163, %dma_wait3A_169] : memref<128x200xi32, #tpu.memory_space<vmem>> -> memref<1x96xi32, #tpu.memory_space<vmem>>
      %dma_wait3A_171 = tpu.memref_squeeze %dma_wait3A_170 : memref<1x96xi32, #tpu.memory_space<vmem>> -> memref<96xi32, #tpu.memory_space<vmem>>
      %dma_wait3A_172 = arith.constant 0 : i32
      %dma_wait3A_173 = arith.constant 0 : i32
      %dma_wait3A_174 = tpu.memref_slice %arg3[%dma_wait3A_172, %dma_wait3A_173] : memref<1000000x64xf32, #tpu.memory_space<hbm>> -> memref<1000000x64xf32, #tpu.memory_space<hbm>>
      tpu.wait_indirect_dma semaphore(%arg7 : memref<!tpu.dma_semaphore, #tpu.memory_space<semaphore_mem>>) src(%dma_wait3A_174 : memref<1000000x64xf32, #tpu.memory_space<hbm>>) dst(%dma_wait3A_168 : memref<96x64xf32, #tpu.memory_space<vmem>>)
      %add3A_175 = arith.constant 1 : i32
      %add3A_176 = arith.addi %mul3A_105, %add3A_175 : i32
      %add3A_177 = arith.addi %mul3A_2, %add3A_176 : i32
      %mul3A_178 = arith.constant 200 : i32
      %mul3A_179 = arith.muli %add3A_177, %mul3A_178 : i32
      %dma_start3A_180 = arith.constant 1 : i32
      %dma_start3A_181 = arith.constant 0 : i32
      %dma_start3A_182 = arith.constant 0 : i32
      %dma_start3A_183 = tpu.memref_slice %arg6[%dma_start3A_180, %dma_start3A_181, %dma_start3A_182] : memref<4x200x64xf32, #tpu.memory_space<vmem>> -> memref<1x200x64xf32, #tpu.memory_space<vmem>>
      %dma_start3A_184 = tpu.memref_squeeze %dma_start3A_183 : memref<1x200x64xf32, #tpu.memory_space<vmem>> -> memref<200x64xf32, #tpu.memory_space<vmem>>
      %dma_start3A_185 = arith.constant 0 : i32
      %dma_start3A_186 = tpu.memref_slice %arg4[%mul3A_179, %dma_start3A_185] : memref<819200x128xf32, #tpu.memory_space<hbm>> -> memref<200x64xf32, #tpu.memory_space<hbm>>
      %dma_start3A_187 = arith.constant 0 : i32
      %dma_start3A_188 = tpu.memref_slice %arg4[%mul3A_179, %dma_start3A_187] : memref<819200x128xf32, #tpu.memory_space<hbm>> -> memref<200x64xf32, #tpu.memory_space<hbm>>
      %dma_start3A_189 = arith.constant 0 : i32
      %dma_start3A_190 = arith.constant 0 : i32
      %dma_start3A_191 = tpu.memref_slice %arg6[%dma_start3A_180, %dma_start3A_189, %dma_start3A_190] : memref<4x200x64xf32, #tpu.memory_space<vmem>> -> memref<1x200x64xf32, #tpu.memory_space<vmem>>
      %dma_start3A_192 = tpu.memref_squeeze %dma_start3A_191 : memref<1x200x64xf32, #tpu.memory_space<vmem>> -> memref<200x64xf32, #tpu.memory_space<vmem>>
      tpu.enqueue_dma source(%dma_start3A_192 : memref<200x64xf32, #tpu.memory_space<vmem>>) target(%dma_start3A_188 : memref<200x64xf32, #tpu.memory_space<hbm>>) target_semaphore(%arg8 : memref<!tpu.dma_semaphore, #tpu.memory_space<semaphore_mem>>)
      %add3A_193 = arith.constant 2 : i32
      %add3A_194 = arith.addi %mul3A_105, %add3A_193 : i32
      %dma_wait3A_195 = arith.constant 2 : i32
      %dma_wait3A_196 = arith.constant 0 : i32
      %dma_wait3A_197 = arith.constant 0 : i32
      %dma_wait3A_198 = tpu.memref_slice %arg6[%dma_wait3A_195, %dma_wait3A_196, %dma_wait3A_197] : memref<4x200x64xf32, #tpu.memory_space<vmem>> -> memref<1x104x64xf32, #tpu.memory_space<vmem>>
      %dma_wait3A_199 = tpu.memref_squeeze %dma_wait3A_198 : memref<1x104x64xf32, #tpu.memory_space<vmem>> -> memref<104x64xf32, #tpu.memory_space<vmem>>
      %dma_wait3A_200 = arith.constant 0 : i32
      %dma_wait3A_201 = tpu.memref_slice %arg5[%add3A_194, %dma_wait3A_200] : memref<128x200xi32, #tpu.memory_space<vmem>> -> memref<1x104xi32, #tpu.memory_space<vmem>>
      %dma_wait3A_202 = tpu.memref_squeeze %dma_wait3A_201 : memref<1x104xi32, #tpu.memory_space<vmem>> -> memref<104xi32, #tpu.memory_space<vmem>>
      %dma_wait3A_203 = arith.constant 0 : i32
      %dma_wait3A_204 = arith.constant 0 : i32
      %dma_wait3A_205 = tpu.memref_slice %arg3[%dma_wait3A_203, %dma_wait3A_204] : memref<1000000x64xf32, #tpu.memory_space<hbm>> -> memref<1000000x64xf32, #tpu.memory_space<hbm>>
      tpu.wait_indirect_dma semaphore(%arg7 : memref<!tpu.dma_semaphore, #tpu.memory_space<semaphore_mem>>) src(%dma_wait3A_205 : memref<1000000x64xf32, #tpu.memory_space<hbm>>) dst(%dma_wait3A_199 : memref<104x64xf32, #tpu.memory_space<vmem>>)
      %add3A_206 = arith.constant 2 : i32
      %add3A_207 = arith.addi %mul3A_105, %add3A_206 : i32
      %dma_wait3A_208 = arith.constant 2 : i32
      %dma_wait3A_209 = arith.constant 104 : i32
      %dma_wait3A_210 = arith.constant 0 : i32
      %dma_wait3A_211 = tpu.memref_slice %arg6[%dma_wait3A_208, %dma_wait3A_209, %dma_wait3A_210] : memref<4x200x64xf32, #tpu.memory_space<vmem>> -> memref<1x96x64xf32, #tpu.memory_space<vmem>>
      %dma_wait3A_212 = tpu.memref_squeeze %dma_wait3A_211 : memref<1x96x64xf32, #tpu.memory_space<vmem>> -> memref<96x64xf32, #tpu.memory_space<vmem>>
      %dma_wait3A_213 = arith.constant 104 : i32
      %dma_wait3A_214 = tpu.memref_slice %arg5[%add3A_207, %dma_wait3A_213] : memref<128x200xi32, #tpu.memory_space<vmem>> -> memref<1x96xi32, #tpu.memory_space<vmem>>
      %dma_wait3A_215 = tpu.memref_squeeze %dma_wait3A_214 : memref<1x96xi32, #tpu.memory_space<vmem>> -> memref<96xi32, #tpu.memory_space<vmem>>
      %dma_wait3A_216 = arith.constant 0 : i32
      %dma_wait3A_217 = arith.constant 0 : i32
      %dma_wait3A_218 = tpu.memref_slice %arg3[%dma_wait3A_216, %dma_wait3A_217] : memref<1000000x64xf32, #tpu.memory_space<hbm>> -> memref<1000000x64xf32, #tpu.memory_space<hbm>>
      tpu.wait_indirect_dma semaphore(%arg7 : memref<!tpu.dma_semaphore, #tpu.memory_space<semaphore_mem>>) src(%dma_wait3A_218 : memref<1000000x64xf32, #tpu.memory_space<hbm>>) dst(%dma_wait3A_212 : memref<96x64xf32, #tpu.memory_space<vmem>>)
      %add3A_219 = arith.constant 2 : i32
      %add3A_220 = arith.addi %mul3A_105, %add3A_219 : i32
      %add3A_221 = arith.addi %mul3A_2, %add3A_220 : i32
      %mul3A_222 = arith.constant 200 : i32
      %mul3A_223 = arith.muli %add3A_221, %mul3A_222 : i32
      %dma_start3A_224 = arith.constant 2 : i32
      %dma_start3A_225 = arith.constant 0 : i32
      %dma_start3A_226 = arith.constant 0 : i32
      %dma_start3A_227 = tpu.memref_slice %arg6[%dma_start3A_224, %dma_start3A_225, %dma_start3A_226] : memref<4x200x64xf32, #tpu.memory_space<vmem>> -> memref<1x200x64xf32, #tpu.memory_space<vmem>>
      %dma_start3A_228 = tpu.memref_squeeze %dma_start3A_227 : memref<1x200x64xf32, #tpu.memory_space<vmem>> -> memref<200x64xf32, #tpu.memory_space<vmem>>
      %dma_start3A_229 = arith.constant 0 : i32
      %dma_start3A_230 = tpu.memref_slice %arg4[%mul3A_223, %dma_start3A_229] : memref<819200x128xf32, #tpu.memory_space<hbm>> -> memref<200x64xf32, #tpu.memory_space<hbm>>
      %dma_start3A_231 = arith.constant 0 : i32
      %dma_start3A_232 = tpu.memref_slice %arg4[%mul3A_223, %dma_start3A_231] : memref<819200x128xf32, #tpu.memory_space<hbm>> -> memref<200x64xf32, #tpu.memory_space<hbm>>
      %dma_start3A_233 = arith.constant 0 : i32
      %dma_start3A_234 = arith.constant 0 : i32
      %dma_start3A_235 = tpu.memref_slice %arg6[%dma_start3A_224, %dma_start3A_233, %dma_start3A_234] : memref<4x200x64xf32, #tpu.memory_space<vmem>> -> memref<1x200x64xf32, #tpu.memory_space<vmem>>
      %dma_start3A_236 = tpu.memref_squeeze %dma_start3A_235 : memref<1x200x64xf32, #tpu.memory_space<vmem>> -> memref<200x64xf32, #tpu.memory_space<vmem>>
      tpu.enqueue_dma source(%dma_start3A_236 : memref<200x64xf32, #tpu.memory_space<vmem>>) target(%dma_start3A_232 : memref<200x64xf32, #tpu.memory_space<hbm>>) target_semaphore(%arg8 : memref<!tpu.dma_semaphore, #tpu.memory_space<semaphore_mem>>)
      %add3A_237 = arith.constant 3 : i32
      %add3A_238 = arith.addi %mul3A_105, %add3A_237 : i32
      %dma_wait3A_239 = arith.constant 3 : i32
      %dma_wait3A_240 = arith.constant 0 : i32
      %dma_wait3A_241 = arith.constant 0 : i32
      %dma_wait3A_242 = tpu.memref_slice %arg6[%dma_wait3A_239, %dma_wait3A_240, %dma_wait3A_241] : memref<4x200x64xf32, #tpu.memory_space<vmem>> -> memref<1x104x64xf32, #tpu.memory_space<vmem>>
      %dma_wait3A_243 = tpu.memref_squeeze %dma_wait3A_242 : memref<1x104x64xf32, #tpu.memory_space<vmem>> -> memref<104x64xf32, #tpu.memory_space<vmem>>
      %dma_wait3A_244 = arith.constant 0 : i32
      %dma_wait3A_245 = tpu.memref_slice %arg5[%add3A_238, %dma_wait3A_244] : memref<128x200xi32, #tpu.memory_space<vmem>> -> memref<1x104xi32, #tpu.memory_space<vmem>>
      %dma_wait3A_246 = tpu.memref_squeeze %dma_wait3A_245 : memref<1x104xi32, #tpu.memory_space<vmem>> -> memref<104xi32, #tpu.memory_space<vmem>>
      %dma_wait3A_247 = arith.constant 0 : i32
      %dma_wait3A_248 = arith.constant 0 : i32
      %dma_wait3A_249 = tpu.memref_slice %arg3[%dma_wait3A_247, %dma_wait3A_248] : memref<1000000x64xf32, #tpu.memory_space<hbm>> -> memref<1000000x64xf32, #tpu.memory_space<hbm>>
      tpu.wait_indirect_dma semaphore(%arg7 : memref<!tpu.dma_semaphore, #tpu.memory_space<semaphore_mem>>) src(%dma_wait3A_249 : memref<1000000x64xf32, #tpu.memory_space<hbm>>) dst(%dma_wait3A_243 : memref<104x64xf32, #tpu.memory_space<vmem>>)
      %add3A_250 = arith.constant 3 : i32
      %add3A_251 = arith.addi %mul3A_105, %add3A_250 : i32
      %dma_wait3A_252 = arith.constant 3 : i32
      %dma_wait3A_253 = arith.constant 104 : i32
      %dma_wait3A_254 = arith.constant 0 : i32
      %dma_wait3A_255 = tpu.memref_slice %arg6[%dma_wait3A_252, %dma_wait3A_253, %dma_wait3A_254] : memref<4x200x64xf32, #tpu.memory_space<vmem>> -> memref<1x96x64xf32, #tpu.memory_space<vmem>>
      %dma_wait3A_256 = tpu.memref_squeeze %dma_wait3A_255 : memref<1x96x64xf32, #tpu.memory_space<vmem>> -> memref<96x64xf32, #tpu.memory_space<vmem>>
      %dma_wait3A_257 = arith.constant 104 : i32
      %dma_wait3A_258 = tpu.memref_slice %arg5[%add3A_251, %dma_wait3A_257] : memref<128x200xi32, #tpu.memory_space<vmem>> -> memref<1x96xi32, #tpu.memory_space<vmem>>
      %dma_wait3A_259 = tpu.memref_squeeze %dma_wait3A_258 : memref<1x96xi32, #tpu.memory_space<vmem>> -> memref<96xi32, #tpu.memory_space<vmem>>
      %dma_wait3A_260 = arith.constant 0 : i32
      %dma_wait3A_261 = arith.constant 0 : i32
      %dma_wait3A_262 = tpu.memref_slice %arg3[%dma_wait3A_260, %dma_wait3A_261] : memref<1000000x64xf32, #tpu.memory_space<hbm>> -> memref<1000000x64xf32, #tpu.memory_space<hbm>>
      tpu.wait_indirect_dma semaphore(%arg7 : memref<!tpu.dma_semaphore, #tpu.memory_space<semaphore_mem>>) src(%dma_wait3A_262 : memref<1000000x64xf32, #tpu.memory_space<hbm>>) dst(%dma_wait3A_256 : memref<96x64xf32, #tpu.memory_space<vmem>>)
      %add3A_263 = arith.constant 3 : i32
      %add3A_264 = arith.addi %mul3A_105, %add3A_263 : i32
      %add3A_265 = arith.addi %mul3A_2, %add3A_264 : i32
      %mul3A_266 = arith.constant 200 : i32
      %mul3A_267 = arith.muli %add3A_265, %mul3A_266 : i32
      %dma_start3A_268 = arith.constant 3 : i32
      %dma_start3A_269 = arith.constant 0 : i32
      %dma_start3A_270 = arith.constant 0 : i32
      %dma_start3A_271 = tpu.memref_slice %arg6[%dma_start3A_268, %dma_start3A_269, %dma_start3A_270] : memref<4x200x64xf32, #tpu.memory_space<vmem>> -> memref<1x200x64xf32, #tpu.memory_space<vmem>>
      %dma_start3A_272 = tpu.memref_squeeze %dma_start3A_271 : memref<1x200x64xf32, #tpu.memory_space<vmem>> -> memref<200x64xf32, #tpu.memory_space<vmem>>
      %dma_start3A_273 = arith.constant 0 : i32
      %dma_start3A_274 = tpu.memref_slice %arg4[%mul3A_267, %dma_start3A_273] : memref<819200x128xf32, #tpu.memory_space<hbm>> -> memref<200x64xf32, #tpu.memory_space<hbm>>
      %dma_start3A_275 = arith.constant 0 : i32
      %dma_start3A_276 = tpu.memref_slice %arg4[%mul3A_267, %dma_start3A_275] : memref<819200x128xf32, #tpu.memory_space<hbm>> -> memref<200x64xf32, #tpu.memory_space<hbm>>
      %dma_start3A_277 = arith.constant 0 : i32
      %dma_start3A_278 = arith.constant 0 : i32
      %dma_start3A_279 = tpu.memref_slice %arg6[%dma_start3A_268, %dma_start3A_277, %dma_start3A_278] : memref<4x200x64xf32, #tpu.memory_space<vmem>> -> memref<1x200x64xf32, #tpu.memory_space<vmem>>
      %dma_start3A_280 = tpu.memref_squeeze %dma_start3A_279 : memref<1x200x64xf32, #tpu.memory_space<vmem>> -> memref<200x64xf32, #tpu.memory_space<vmem>>
      tpu.enqueue_dma source(%dma_start3A_280 : memref<200x64xf32, #tpu.memory_space<vmem>>) target(%dma_start3A_276 : memref<200x64xf32, #tpu.memory_space<hbm>>) target_semaphore(%arg8 : memref<!tpu.dma_semaphore, #tpu.memory_space<semaphore_mem>>)
      %add3A_281 = arith.constant 0 : i32
      %add3A_282 = arith.addi %mul3A_105, %add3A_281 : i32
      %add3A_283 = arith.addi %mul3A_2, %add3A_282 : i32
      %mul3A_284 = arith.constant 200 : i32
      %mul3A_285 = arith.muli %add3A_283, %mul3A_284 : i32
      %dma_wait3A_286 = arith.constant 0 : i32
      %dma_wait3A_287 = arith.constant 0 : i32
      %dma_wait3A_288 = arith.constant 0 : i32
      %dma_wait3A_289 = tpu.memref_slice %arg6[%dma_wait3A_286, %dma_wait3A_287, %dma_wait3A_288] : memref<4x200x64xf32, #tpu.memory_space<vmem>> -> memref<1x200x64xf32, #tpu.memory_space<vmem>>
      %dma_wait3A_290 = tpu.memref_squeeze %dma_wait3A_289 : memref<1x200x64xf32, #tpu.memory_space<vmem>> -> memref<200x64xf32, #tpu.memory_space<vmem>>
      %dma_wait3A_291 = arith.constant 0 : i32
      %dma_wait3A_292 = tpu.memref_slice %arg4[%mul3A_285, %dma_wait3A_291] : memref<819200x128xf32, #tpu.memory_space<hbm>> -> memref<200x64xf32, #tpu.memory_space<hbm>>
      %dma_wait3A_293 = arith.constant 0 : i32
      %dma_wait3A_294 = tpu.memref_slice %arg4[%mul3A_285, %dma_wait3A_293] : memref<819200x128xf32, #tpu.memory_space<hbm>> -> memref<200x64xf32, #tpu.memory_space<hbm>>
      %dma_wait3A_295 = arith.constant 0 : i32
      %dma_wait3A_296 = arith.constant 0 : i32
      %dma_wait3A_297 = tpu.memref_slice %arg6[%dma_wait3A_286, %dma_wait3A_295, %dma_wait3A_296] : memref<4x200x64xf32, #tpu.memory_space<vmem>> -> memref<1x200x64xf32, #tpu.memory_space<vmem>>
      %dma_wait3A_298 = tpu.memref_squeeze %dma_wait3A_297 : memref<1x200x64xf32, #tpu.memory_space<vmem>> -> memref<200x64xf32, #tpu.memory_space<vmem>>
      tpu.wait_dma2 semaphore(%arg8 : memref<!tpu.dma_semaphore, #tpu.memory_space<semaphore_mem>>) src(%dma_wait3A_298 : memref<200x64xf32, #tpu.memory_space<vmem>>) dst(%dma_wait3A_294 : memref<200x64xf32, #tpu.memory_space<hbm>>)
      %add3A_299 = arith.constant 1 : i32
      %add3A_300 = arith.addi %scan3A_103, %add3A_299 : i32
      %lt3A = arith.constant 32 : i32
      %lt3A_301 = arith.cmpi slt, %add3A_300, %lt3A : i32
      %convert_element_type3A = arith.extui %lt3A_301 : i1 to i32
      %cond3A = arith.constant 0 : i32
      %cond3A_302 = arith.cmpi ne, %convert_element_type3A, %cond3A : i32
      scf.if %cond3A_302 {
        %add3A_378 = arith.constant 4 : i32
        %add3A_379 = arith.addi %mul3A_105, %add3A_378 : i32
        %add3A_380 = arith.constant 0 : i32
        %add3A_381 = arith.addi %add3A_379, %add3A_380 : i32
        %dma_start3A_382 = arith.constant 0 : i32
        %dma_start3A_383 = arith.constant 0 : i32
        %dma_start3A_384 = arith.constant 0 : i32
        %dma_start3A_385 = tpu.memref_slice %arg6[%dma_start3A_382, %dma_start3A_383, %dma_start3A_384] : memref<4x200x64xf32, #tpu.memory_space<vmem>> -> memref<1x104x64xf32, #tpu.memory_space<vmem>>
        %dma_start3A_386 = tpu.memref_squeeze %dma_start3A_385 : memref<1x104x64xf32, #tpu.memory_space<vmem>> -> memref<104x64xf32, #tpu.memory_space<vmem>>
        %dma_start3A_387 = arith.constant 0 : i32
        %dma_start3A_388 = tpu.memref_slice %arg5[%add3A_381, %dma_start3A_387] : memref<128x200xi32, #tpu.memory_space<vmem>> -> memref<1x104xi32, #tpu.memory_space<vmem>>
        %dma_start3A_389 = tpu.memref_squeeze %dma_start3A_388 : memref<1x104xi32, #tpu.memory_space<vmem>> -> memref<104xi32, #tpu.memory_space<vmem>>
        %dma_start3A_390 = arith.constant 0 : i32
        %dma_start3A_391 = arith.constant 0 : i32
        %dma_start3A_392 = tpu.memref_slice %arg3[%dma_start3A_390, %dma_start3A_391] : memref<1000000x64xf32, #tpu.memory_space<hbm>> -> memref<1000000x64xf32, #tpu.memory_space<hbm>>
        tpu.enqueue_indirect_dma source(%dma_start3A_392 : memref<1000000x64xf32, #tpu.memory_space<hbm>>) target(%dma_start3A_386 : memref<104x64xf32, #tpu.memory_space<vmem>>) offsets(%dma_start3A_389 : memref<104xi32, #tpu.memory_space<vmem>>) semaphore(%arg7 : memref<!tpu.dma_semaphore, #tpu.memory_space<semaphore_mem>>)
        %add3A_393 = arith.constant 4 : i32
        %add3A_394 = arith.addi %mul3A_105, %add3A_393 : i32
        %add3A_395 = arith.constant 0 : i32
        %add3A_396 = arith.addi %add3A_394, %add3A_395 : i32
        %dma_start3A_397 = arith.constant 0 : i32
        %dma_start3A_398 = arith.constant 104 : i32
        %dma_start3A_399 = arith.constant 0 : i32
        %dma_start3A_400 = tpu.memref_slice %arg6[%dma_start3A_397, %dma_start3A_398, %dma_start3A_399] : memref<4x200x64xf32, #tpu.memory_space<vmem>> -> memref<1x96x64xf32, #tpu.memory_space<vmem>>
        %dma_start3A_401 = tpu.memref_squeeze %dma_start3A_400 : memref<1x96x64xf32, #tpu.memory_space<vmem>> -> memref<96x64xf32, #tpu.memory_space<vmem>>
        %dma_start3A_402 = arith.constant 104 : i32
        %dma_start3A_403 = tpu.memref_slice %arg5[%add3A_396, %dma_start3A_402] : memref<128x200xi32, #tpu.memory_space<vmem>> -> memref<1x96xi32, #tpu.memory_space<vmem>>
        %dma_start3A_404 = tpu.memref_squeeze %dma_start3A_403 : memref<1x96xi32, #tpu.memory_space<vmem>> -> memref<96xi32, #tpu.memory_space<vmem>>
        %dma_start3A_405 = arith.constant 0 : i32
        %dma_start3A_406 = arith.constant 0 : i32
        %dma_start3A_407 = tpu.memref_slice %arg3[%dma_start3A_405, %dma_start3A_406] : memref<1000000x64xf32, #tpu.memory_space<hbm>> -> memref<1000000x64xf32, #tpu.memory_space<hbm>>
        tpu.enqueue_indirect_dma source(%dma_start3A_407 : memref<1000000x64xf32, #tpu.memory_space<hbm>>) target(%dma_start3A_401 : memref<96x64xf32, #tpu.memory_space<vmem>>) offsets(%dma_start3A_404 : memref<96xi32, #tpu.memory_space<vmem>>) semaphore(%arg7 : memref<!tpu.dma_semaphore, #tpu.memory_space<semaphore_mem>>)
      } else {
      }
      %add3A_303 = arith.constant 1 : i32
      %add3A_304 = arith.addi %mul3A_105, %add3A_303 : i32
      %add3A_305 = arith.addi %mul3A_2, %add3A_304 : i32
      %mul3A_306 = arith.constant 200 : i32
      %mul3A_307 = arith.muli %add3A_305, %mul3A_306 : i32
      %dma_wait3A_308 = arith.constant 1 : i32
      %dma_wait3A_309 = arith.constant 0 : i32
      %dma_wait3A_310 = arith.constant 0 : i32
      %dma_wait3A_311 = tpu.memref_slice %arg6[%dma_wait3A_308, %dma_wait3A_309, %dma_wait3A_310] : memref<4x200x64xf32, #tpu.memory_space<vmem>> -> memref<1x200x64xf32, #tpu.memory_space<vmem>>
      %dma_wait3A_312 = tpu.memref_squeeze %dma_wait3A_311 : memref<1x200x64xf32, #tpu.memory_space<vmem>> -> memref<200x64xf32, #tpu.memory_space<vmem>>
      %dma_wait3A_313 = arith.constant 0 : i32
      %dma_wait3A_314 = tpu.memref_slice %arg4[%mul3A_307, %dma_wait3A_313] : memref<819200x128xf32, #tpu.memory_space<hbm>> -> memref<200x64xf32, #tpu.memory_space<hbm>>
      %dma_wait3A_315 = arith.constant 0 : i32
      %dma_wait3A_316 = tpu.memref_slice %arg4[%mul3A_307, %dma_wait3A_315] : memref<819200x128xf32, #tpu.memory_space<hbm>> -> memref<200x64xf32, #tpu.memory_space<hbm>>
      %dma_wait3A_317 = arith.constant 0 : i32
      %dma_wait3A_318 = arith.constant 0 : i32
      %dma_wait3A_319 = tpu.memref_slice %arg6[%dma_wait3A_308, %dma_wait3A_317, %dma_wait3A_318] : memref<4x200x64xf32, #tpu.memory_space<vmem>> -> memref<1x200x64xf32, #tpu.memory_space<vmem>>
      %dma_wait3A_320 = tpu.memref_squeeze %dma_wait3A_319 : memref<1x200x64xf32, #tpu.memory_space<vmem>> -> memref<200x64xf32, #tpu.memory_space<vmem>>
      tpu.wait_dma2 semaphore(%arg8 : memref<!tpu.dma_semaphore, #tpu.memory_space<semaphore_mem>>) src(%dma_wait3A_320 : memref<200x64xf32, #tpu.memory_space<vmem>>) dst(%dma_wait3A_316 : memref<200x64xf32, #tpu.memory_space<hbm>>)
      %add3A_321 = arith.constant 1 : i32
      %add3A_322 = arith.addi %scan3A_103, %add3A_321 : i32
      %lt3A_323 = arith.constant 32 : i32
      %lt3A_324 = arith.cmpi slt, %add3A_322, %lt3A_323 : i32
      %convert_element_type3A_325 = arith.extui %lt3A_324 : i1 to i32
      %cond3A_326 = arith.constant 0 : i32
      %cond3A_327 = arith.cmpi ne, %convert_element_type3A_325, %cond3A_326 : i32
      scf.if %cond3A_327 {
        %add3A_378 = arith.constant 4 : i32
        %add3A_379 = arith.addi %mul3A_105, %add3A_378 : i32
        %add3A_380 = arith.constant 1 : i32
        %add3A_381 = arith.addi %add3A_379, %add3A_380 : i32
        %dma_start3A_382 = arith.constant 1 : i32
        %dma_start3A_383 = arith.constant 0 : i32
        %dma_start3A_384 = arith.constant 0 : i32
        %dma_start3A_385 = tpu.memref_slice %arg6[%dma_start3A_382, %dma_start3A_383, %dma_start3A_384] : memref<4x200x64xf32, #tpu.memory_space<vmem>> -> memref<1x104x64xf32, #tpu.memory_space<vmem>>
        %dma_start3A_386 = tpu.memref_squeeze %dma_start3A_385 : memref<1x104x64xf32, #tpu.memory_space<vmem>> -> memref<104x64xf32, #tpu.memory_space<vmem>>
        %dma_start3A_387 = arith.constant 0 : i32
        %dma_start3A_388 = tpu.memref_slice %arg5[%add3A_381, %dma_start3A_387] : memref<128x200xi32, #tpu.memory_space<vmem>> -> memref<1x104xi32, #tpu.memory_space<vmem>>
        %dma_start3A_389 = tpu.memref_squeeze %dma_start3A_388 : memref<1x104xi32, #tpu.memory_space<vmem>> -> memref<104xi32, #tpu.memory_space<vmem>>
        %dma_start3A_390 = arith.constant 0 : i32
        %dma_start3A_391 = arith.constant 0 : i32
        %dma_start3A_392 = tpu.memref_slice %arg3[%dma_start3A_390, %dma_start3A_391] : memref<1000000x64xf32, #tpu.memory_space<hbm>> -> memref<1000000x64xf32, #tpu.memory_space<hbm>>
        tpu.enqueue_indirect_dma source(%dma_start3A_392 : memref<1000000x64xf32, #tpu.memory_space<hbm>>) target(%dma_start3A_386 : memref<104x64xf32, #tpu.memory_space<vmem>>) offsets(%dma_start3A_389 : memref<104xi32, #tpu.memory_space<vmem>>) semaphore(%arg7 : memref<!tpu.dma_semaphore, #tpu.memory_space<semaphore_mem>>)
        %add3A_393 = arith.constant 4 : i32
        %add3A_394 = arith.addi %mul3A_105, %add3A_393 : i32
        %add3A_395 = arith.constant 1 : i32
        %add3A_396 = arith.addi %add3A_394, %add3A_395 : i32
        %dma_start3A_397 = arith.constant 1 : i32
        %dma_start3A_398 = arith.constant 104 : i32
        %dma_start3A_399 = arith.constant 0 : i32
        %dma_start3A_400 = tpu.memref_slice %arg6[%dma_start3A_397, %dma_start3A_398, %dma_start3A_399] : memref<4x200x64xf32, #tpu.memory_space<vmem>> -> memref<1x96x64xf32, #tpu.memory_space<vmem>>
        %dma_start3A_401 = tpu.memref_squeeze %dma_start3A_400 : memref<1x96x64xf32, #tpu.memory_space<vmem>> -> memref<96x64xf32, #tpu.memory_space<vmem>>
        %dma_start3A_402 = arith.constant 104 : i32
        %dma_start3A_403 = tpu.memref_slice %arg5[%add3A_396, %dma_start3A_402] : memref<128x200xi32, #tpu.memory_space<vmem>> -> memref<1x96xi32, #tpu.memory_space<vmem>>
        %dma_start3A_404 = tpu.memref_squeeze %dma_start3A_403 : memref<1x96xi32, #tpu.memory_space<vmem>> -> memref<96xi32, #tpu.memory_space<vmem>>
        %dma_start3A_405 = arith.constant 0 : i32
        %dma_start3A_406 = arith.constant 0 : i32
        %dma_start3A_407 = tpu.memref_slice %arg3[%dma_start3A_405, %dma_start3A_406] : memref<1000000x64xf32, #tpu.memory_space<hbm>> -> memref<1000000x64xf32, #tpu.memory_space<hbm>>
        tpu.enqueue_indirect_dma source(%dma_start3A_407 : memref<1000000x64xf32, #tpu.memory_space<hbm>>) target(%dma_start3A_401 : memref<96x64xf32, #tpu.memory_space<vmem>>) offsets(%dma_start3A_404 : memref<96xi32, #tpu.memory_space<vmem>>) semaphore(%arg7 : memref<!tpu.dma_semaphore, #tpu.memory_space<semaphore_mem>>)
      } else {
      }
      %add3A_328 = arith.constant 2 : i32
      %add3A_329 = arith.addi %mul3A_105, %add3A_328 : i32
      %add3A_330 = arith.addi %mul3A_2, %add3A_329 : i32
      %mul3A_331 = arith.constant 200 : i32
      %mul3A_332 = arith.muli %add3A_330, %mul3A_331 : i32
      %dma_wait3A_333 = arith.constant 2 : i32
      %dma_wait3A_334 = arith.constant 0 : i32
      %dma_wait3A_335 = arith.constant 0 : i32
      %dma_wait3A_336 = tpu.memref_slice %arg6[%dma_wait3A_333, %dma_wait3A_334, %dma_wait3A_335] : memref<4x200x64xf32, #tpu.memory_space<vmem>> -> memref<1x200x64xf32, #tpu.memory_space<vmem>>
      %dma_wait3A_337 = tpu.memref_squeeze %dma_wait3A_336 : memref<1x200x64xf32, #tpu.memory_space<vmem>> -> memref<200x64xf32, #tpu.memory_space<vmem>>
      %dma_wait3A_338 = arith.constant 0 : i32
      %dma_wait3A_339 = tpu.memref_slice %arg4[%mul3A_332, %dma_wait3A_338] : memref<819200x128xf32, #tpu.memory_space<hbm>> -> memref<200x64xf32, #tpu.memory_space<hbm>>
      %dma_wait3A_340 = arith.constant 0 : i32
      %dma_wait3A_341 = tpu.memref_slice %arg4[%mul3A_332, %dma_wait3A_340] : memref<819200x128xf32, #tpu.memory_space<hbm>> -> memref<200x64xf32, #tpu.memory_space<hbm>>
      %dma_wait3A_342 = arith.constant 0 : i32
      %dma_wait3A_343 = arith.constant 0 : i32
      %dma_wait3A_344 = tpu.memref_slice %arg6[%dma_wait3A_333, %dma_wait3A_342, %dma_wait3A_343] : memref<4x200x64xf32, #tpu.memory_space<vmem>> -> memref<1x200x64xf32, #tpu.memory_space<vmem>>
      %dma_wait3A_345 = tpu.memref_squeeze %dma_wait3A_344 : memref<1x200x64xf32, #tpu.memory_space<vmem>> -> memref<200x64xf32, #tpu.memory_space<vmem>>
      tpu.wait_dma2 semaphore(%arg8 : memref<!tpu.dma_semaphore, #tpu.memory_space<semaphore_mem>>) src(%dma_wait3A_345 : memref<200x64xf32, #tpu.memory_space<vmem>>) dst(%dma_wait3A_341 : memref<200x64xf32, #tpu.memory_space<hbm>>)
      %add3A_346 = arith.constant 1 : i32
      %add3A_347 = arith.addi %scan3A_103, %add3A_346 : i32
      %lt3A_348 = arith.constant 32 : i32
      %lt3A_349 = arith.cmpi slt, %add3A_347, %lt3A_348 : i32
      %convert_element_type3A_350 = arith.extui %lt3A_349 : i1 to i32
      %cond3A_351 = arith.constant 0 : i32
      %cond3A_352 = arith.cmpi ne, %convert_element_type3A_350, %cond3A_351 : i32
      scf.if %cond3A_352 {
        %add3A_378 = arith.constant 4 : i32
        %add3A_379 = arith.addi %mul3A_105, %add3A_378 : i32
        %add3A_380 = arith.constant 2 : i32
        %add3A_381 = arith.addi %add3A_379, %add3A_380 : i32
        %dma_start3A_382 = arith.constant 2 : i32
        %dma_start3A_383 = arith.constant 0 : i32
        %dma_start3A_384 = arith.constant 0 : i32
        %dma_start3A_385 = tpu.memref_slice %arg6[%dma_start3A_382, %dma_start3A_383, %dma_start3A_384] : memref<4x200x64xf32, #tpu.memory_space<vmem>> -> memref<1x104x64xf32, #tpu.memory_space<vmem>>
        %dma_start3A_386 = tpu.memref_squeeze %dma_start3A_385 : memref<1x104x64xf32, #tpu.memory_space<vmem>> -> memref<104x64xf32, #tpu.memory_space<vmem>>
        %dma_start3A_387 = arith.constant 0 : i32
        %dma_start3A_388 = tpu.memref_slice %arg5[%add3A_381, %dma_start3A_387] : memref<128x200xi32, #tpu.memory_space<vmem>> -> memref<1x104xi32, #tpu.memory_space<vmem>>
        %dma_start3A_389 = tpu.memref_squeeze %dma_start3A_388 : memref<1x104xi32, #tpu.memory_space<vmem>> -> memref<104xi32, #tpu.memory_space<vmem>>
        %dma_start3A_390 = arith.constant 0 : i32
        %dma_start3A_391 = arith.constant 0 : i32
        %dma_start3A_392 = tpu.memref_slice %arg3[%dma_start3A_390, %dma_start3A_391] : memref<1000000x64xf32, #tpu.memory_space<hbm>> -> memref<1000000x64xf32, #tpu.memory_space<hbm>>
        tpu.enqueue_indirect_dma source(%dma_start3A_392 : memref<1000000x64xf32, #tpu.memory_space<hbm>>) target(%dma_start3A_386 : memref<104x64xf32, #tpu.memory_space<vmem>>) offsets(%dma_start3A_389 : memref<104xi32, #tpu.memory_space<vmem>>) semaphore(%arg7 : memref<!tpu.dma_semaphore, #tpu.memory_space<semaphore_mem>>)
        %add3A_393 = arith.constant 4 : i32
        %add3A_394 = arith.addi %mul3A_105, %add3A_393 : i32
        %add3A_395 = arith.constant 2 : i32
        %add3A_396 = arith.addi %add3A_394, %add3A_395 : i32
        %dma_start3A_397 = arith.constant 2 : i32
        %dma_start3A_398 = arith.constant 104 : i32
        %dma_start3A_399 = arith.constant 0 : i32
        %dma_start3A_400 = tpu.memref_slice %arg6[%dma_start3A_397, %dma_start3A_398, %dma_start3A_399] : memref<4x200x64xf32, #tpu.memory_space<vmem>> -> memref<1x96x64xf32, #tpu.memory_space<vmem>>
        %dma_start3A_401 = tpu.memref_squeeze %dma_start3A_400 : memref<1x96x64xf32, #tpu.memory_space<vmem>> -> memref<96x64xf32, #tpu.memory_space<vmem>>
        %dma_start3A_402 = arith.constant 104 : i32
        %dma_start3A_403 = tpu.memref_slice %arg5[%add3A_396, %dma_start3A_402] : memref<128x200xi32, #tpu.memory_space<vmem>> -> memref<1x96xi32, #tpu.memory_space<vmem>>
        %dma_start3A_404 = tpu.memref_squeeze %dma_start3A_403 : memref<1x96xi32, #tpu.memory_space<vmem>> -> memref<96xi32, #tpu.memory_space<vmem>>
        %dma_start3A_405 = arith.constant 0 : i32
        %dma_start3A_406 = arith.constant 0 : i32
        %dma_start3A_407 = tpu.memref_slice %arg3[%dma_start3A_405, %dma_start3A_406] : memref<1000000x64xf32, #tpu.memory_space<hbm>> -> memref<1000000x64xf32, #tpu.memory_space<hbm>>
        tpu.enqueue_indirect_dma source(%dma_start3A_407 : memref<1000000x64xf32, #tpu.memory_space<hbm>>) target(%dma_start3A_401 : memref<96x64xf32, #tpu.memory_space<vmem>>) offsets(%dma_start3A_404 : memref<96xi32, #tpu.memory_space<vmem>>) semaphore(%arg7 : memref<!tpu.dma_semaphore, #tpu.memory_space<semaphore_mem>>)
      } else {
      }
      %add3A_353 = arith.constant 3 : i32
      %add3A_354 = arith.addi %mul3A_105, %add3A_353 : i32
      %add3A_355 = arith.addi %mul3A_2, %add3A_354 : i32
      %mul3A_356 = arith.constant 200 : i32
      %mul3A_357 = arith.muli %add3A_355, %mul3A_356 : i32
      %dma_wait3A_358 = arith.constant 3 : i32
      %dma_wait3A_359 = arith.constant 0 : i32
      %dma_wait3A_360 = arith.constant 0 : i32
      %dma_wait3A_361 = tpu.memref_slice %arg6[%dma_wait3A_358, %dma_wait3A_359, %dma_wait3A_360] : memref<4x200x64xf32, #tpu.memory_space<vmem>> -> memref<1x200x64xf32, #tpu.memory_space<vmem>>
      %dma_wait3A_362 = tpu.memref_squeeze %dma_wait3A_361 : memref<1x200x64xf32, #tpu.memory_space<vmem>> -> memref<200x64xf32, #tpu.memory_space<vmem>>
      %dma_wait3A_363 = arith.constant 0 : i32
      %dma_wait3A_364 = tpu.memref_slice %arg4[%mul3A_357, %dma_wait3A_363] : memref<819200x128xf32, #tpu.memory_space<hbm>> -> memref<200x64xf32, #tpu.memory_space<hbm>>
      %dma_wait3A_365 = arith.constant 0 : i32
      %dma_wait3A_366 = tpu.memref_slice %arg4[%mul3A_357, %dma_wait3A_365] : memref<819200x128xf32, #tpu.memory_space<hbm>> -> memref<200x64xf32, #tpu.memory_space<hbm>>
      %dma_wait3A_367 = arith.constant 0 : i32
      %dma_wait3A_368 = arith.constant 0 : i32
      %dma_wait3A_369 = tpu.memref_slice %arg6[%dma_wait3A_358, %dma_wait3A_367, %dma_wait3A_368] : memref<4x200x64xf32, #tpu.memory_space<vmem>> -> memref<1x200x64xf32, #tpu.memory_space<vmem>>
      %dma_wait3A_370 = tpu.memref_squeeze %dma_wait3A_369 : memref<1x200x64xf32, #tpu.memory_space<vmem>> -> memref<200x64xf32, #tpu.memory_space<vmem>>
      tpu.wait_dma2 semaphore(%arg8 : memref<!tpu.dma_semaphore, #tpu.memory_space<semaphore_mem>>) src(%dma_wait3A_370 : memref<200x64xf32, #tpu.memory_space<vmem>>) dst(%dma_wait3A_366 : memref<200x64xf32, #tpu.memory_space<hbm>>)
      %add3A_371 = arith.constant 1 : i32
      %add3A_372 = arith.addi %scan3A_103, %add3A_371 : i32
      %lt3A_373 = arith.constant 32 : i32
      %lt3A_374 = arith.cmpi slt, %add3A_372, %lt3A_373 : i32
      %convert_element_type3A_375 = arith.extui %lt3A_374 : i1 to i32
      %cond3A_376 = arith.constant 0 : i32
      %cond3A_377 = arith.cmpi ne, %convert_element_type3A_375, %cond3A_376 : i32
      scf.if %cond3A_377 {
        %add3A_378 = arith.constant 4 : i32
        %add3A_379 = arith.addi %mul3A_105, %add3A_378 : i32
        %add3A_380 = arith.constant 3 : i32
        %add3A_381 = arith.addi %add3A_379, %add3A_380 : i32
        %dma_start3A_382 = arith.constant 3 : i32
        %dma_start3A_383 = arith.constant 0 : i32
        %dma_start3A_384 = arith.constant 0 : i32
        %dma_start3A_385 = tpu.memref_slice %arg6[%dma_start3A_382, %dma_start3A_383, %dma_start3A_384] : memref<4x200x64xf32, #tpu.memory_space<vmem>> -> memref<1x104x64xf32, #tpu.memory_space<vmem>>
        %dma_start3A_386 = tpu.memref_squeeze %dma_start3A_385 : memref<1x104x64xf32, #tpu.memory_space<vmem>> -> memref<104x64xf32, #tpu.memory_space<vmem>>
        %dma_start3A_387 = arith.constant 0 : i32
        %dma_start3A_388 = tpu.memref_slice %arg5[%add3A_381, %dma_start3A_387] : memref<128x200xi32, #tpu.memory_space<vmem>> -> memref<1x104xi32, #tpu.memory_space<vmem>>
        %dma_start3A_389 = tpu.memref_squeeze %dma_start3A_388 : memref<1x104xi32, #tpu.memory_space<vmem>> -> memref<104xi32, #tpu.memory_space<vmem>>
        %dma_start3A_390 = arith.constant 0 : i32
        %dma_start3A_391 = arith.constant 0 : i32
        %dma_start3A_392 = tpu.memref_slice %arg3[%dma_start3A_390, %dma_start3A_391] : memref<1000000x64xf32, #tpu.memory_space<hbm>> -> memref<1000000x64xf32, #tpu.memory_space<hbm>>
        tpu.enqueue_indirect_dma source(%dma_start3A_392 : memref<1000000x64xf32, #tpu.memory_space<hbm>>) target(%dma_start3A_386 : memref<104x64xf32, #tpu.memory_space<vmem>>) offsets(%dma_start3A_389 : memref<104xi32, #tpu.memory_space<vmem>>) semaphore(%arg7 : memref<!tpu.dma_semaphore, #tpu.memory_space<semaphore_mem>>)
        %add3A_393 = arith.constant 4 : i32
        %add3A_394 = arith.addi %mul3A_105, %add3A_393 : i32
        %add3A_395 = arith.constant 3 : i32
        %add3A_396 = arith.addi %add3A_394, %add3A_395 : i32
        %dma_start3A_397 = arith.constant 3 : i32
        %dma_start3A_398 = arith.constant 104 : i32
        %dma_start3A_399 = arith.constant 0 : i32
        %dma_start3A_400 = tpu.memref_slice %arg6[%dma_start3A_397, %dma_start3A_398, %dma_start3A_399] : memref<4x200x64xf32, #tpu.memory_space<vmem>> -> memref<1x96x64xf32, #tpu.memory_space<vmem>>
        %dma_start3A_401 = tpu.memref_squeeze %dma_start3A_400 : memref<1x96x64xf32, #tpu.memory_space<vmem>> -> memref<96x64xf32, #tpu.memory_space<vmem>>
        %dma_start3A_402 = arith.constant 104 : i32
        %dma_start3A_403 = tpu.memref_slice %arg5[%add3A_396, %dma_start3A_402] : memref<128x200xi32, #tpu.memory_space<vmem>> -> memref<1x96xi32, #tpu.memory_space<vmem>>
        %dma_start3A_404 = tpu.memref_squeeze %dma_start3A_403 : memref<1x96xi32, #tpu.memory_space<vmem>> -> memref<96xi32, #tpu.memory_space<vmem>>
        %dma_start3A_405 = arith.constant 0 : i32
        %dma_start3A_406 = arith.constant 0 : i32
        %dma_start3A_407 = tpu.memref_slice %arg3[%dma_start3A_405, %dma_start3A_406] : memref<1000000x64xf32, #tpu.memory_space<hbm>> -> memref<1000000x64xf32, #tpu.memory_space<hbm>>
        tpu.enqueue_indirect_dma source(%dma_start3A_407 : memref<1000000x64xf32, #tpu.memory_space<hbm>>) target(%dma_start3A_401 : memref<96x64xf32, #tpu.memory_space<vmem>>) offsets(%dma_start3A_404 : memref<96xi32, #tpu.memory_space<vmem>>) semaphore(%arg7 : memref<!tpu.dma_semaphore, #tpu.memory_space<semaphore_mem>>)
      } else {
      }
    }
    %scan3A_102 = arith.constant 32 : i32
    return
  }
}

</mosaic_0001>

<sc_bundles>
// kernel: kernel.3.cloned.1.call-start
scs
__scs_entry_jumppad:
0x0: {  	(pc) =	sbr.rel $0x88, $3  }
0x1: {  	(tag) =	ssettag $0x0;
	lr =	simm.s32 $0x1  }
0x2: {  	[smem:$0x3F9F] =	sst lr;
	_ =	strace $0xD0000000  }
0x3: {  	_ = 	snop  }
0x4: {  	_ = 	snop  }
0x5: {  	_ = 	snop  }
0x6: {  	_ = 	snop  }
0x7: {  	_ = 	snop  }
__scs_overlays_trampoline_lowered:
0x8: {  	[smem:$0x3FAE] =	sst s0  }
0x9: {  	[smem:$0x3FAF] =	sst s1  }
0xa: {  	[smem:$0x3FB0] =	sst s2  }
0xb: {  	[smem:$0x3FB1] =	sst s3  }
0xc: {  	[smem:$0x3FB2] =	sst s4  }
0xd: {  	[smem:$0x3FB3] =	sst s5  }
0xe: {  	[smem:$0x3FB4] =	sst s6  }
0xf: {  	[smem:$0x3FB5] =	sst s7  }
0x10: {  	[smem:$0x3FB6] =	sst s8  }
0x11: {  	[smem:$0x3FB7] =	sst s9;
	s0 =	simm.s32 @!p0 $0x0  }
0x12: {  	s1 =	sld [smem:$0x3F9D];
	s0 =	simm.s32 @p0 $0x1  }
0x13: {  	[smem:$0x3FB8] =	sst s0;
	s0 =	simm.s32 @!p1 $0x0  }
0x14: {  	s2 =	sld [smem:$0x3F9C];
	s0 =	simm.s32 @p1 $0x1  }
0x15: {  	[smem:$0x3FB9] =	sst s0;
	s0 =	simm.s32 @!p2 $0x0  }
0x16: {  	s3 =	sld [smem:$0x3FDB];
	s0 =	simm.s32 @p2 $0x1  }
0x17: {  	s4 =	simm.s32 $0x1BF5;
	[smem:$0x3FBB] =	sst s0  }
0x18: {  	s0 =	sld [smem:$0x3F9E];
	_ =	swait.ge [sflag:s4], $0x0  }
0x19: {  	s7 =	sld [smem:$0x3F9F]  }
0x1a: {  	s8 =	sadd.s32 $0xFFFFE003, lr  }
0x1b: {  	s9 =	sadd.s32 $0xFFFFFEF7, lr;
	s5 =	simm.s32 $0xFFFFFFFF;
	p2 =	slt.u32 s8, $0xFFFFF086  }
0x1c: {  	p1 =	slt.u32 s9, $0xF7A;
	s5 =	simm.s32 @!p2 $0x0  }
0x1d: {  	s5 =	simm.s32 @p1 $0x1;
	p0 =	seq.s32 s7, s2  }
0x1e: {  	s7 =	smul.u32 @!p0 $0xF7A, s2;
	p2 =	seq.s32 @!p0 s5, $0x0  }
0x1f: {  	s9 =	smul.u32 $0xF7A, s1;
	s8 =	simm.s32 @!p0 $0x1BF5;
	p2 =	por !p2, p0  }
0x20: {  	[sflag:s8] =	ssyncset.s32 @!p0 $0xFFFFF086;
	s6 =	sadd.s32 @!p0 s3, s7;
	s7 =	simm.s32 @!p0 $0x108  }
0x21: {  	s3 =	sadd.s32 s3, s9;
	s6 =	sadd.s32 @!p0 $0x88, s6;
	s7 =	simm.s32 @p2 $0x1082  }
0x22: {  	[simem:s7], [sflag:s8] =	dma.local @!p0 [hbm:s6], $0xF7A  }
0x23: {  	s9 =	sor.u32 $0xD0000000, s2;
	s6 =	simm.s32 $0x108;
	_ =	swait.ge @!p0 [sflag:s8], $0x0  }
0x24: {  	s3 =	sadd.s32 $0x88, s3;
	s6 =	simm.s32 @!p1 $0x1082;
	[sflag:s4] =	ssyncset.s32 $0xFFFFF086  }
0x25: {  	[simem:s6], [sflag:s4] =	dma.local [hbm:s3], $0xF7A  }
0x26: {  	[smem:$0x3F9F] =	sst s1;
	(tag) =	ssettag s2;
	_ =	strace s9  }
0x27: {  	s1 =	sld [smem:$0x3FAF]  }
0x28: {  	s2 =	sld [smem:$0x3FB0]  }
0x29: {  	s4 =	sld [smem:$0x3FB2]  }
0x2a: {  	p0 =	seq.s32 s5, $0x0;
	s5 =	sld [smem:$0x3FB3]  }
0x2b: {  	s6 =	sld [smem:$0x3FB4]  }
0x2c: {  	s7 =	sld [smem:$0x3FB5]  }
0x2d: {  	s3 =	simm.s32 $0x108;
	s8 =	sld [smem:$0x3FB6]  }
0x2e: {  	s3 =	simm.s32 @!p0 $0x1082;
	s9 =	sld [smem:$0x3FB7]  }
0x2f: {  	lr =	sadd.s32 s0, s3;
	s0 =	sld [smem:$0x3FAE]  }
0x30: {  	s3 =	sld [smem:$0x3FB1]  }
0x31: {  	[smem:$0x3FBA] =	sst s10  }
0x32: {  	s10 =	sld [smem:$0x3FB8];
	_ =	sdelay $0x3  }
0x33: {  	p0 =	seq.s32 s10, $0x1;
	s10 =	sld [smem:$0x3FBA];
	_ =	sdelay $0x3  }
0x34: {  	[smem:$0x3FBA] =	sst s10  }
0x35: {  	s10 =	sld [smem:$0x3FB9];
	_ =	sdelay $0x3  }
0x36: {  	p1 =	seq.s32 s10, $0x1;
	s10 =	sld [smem:$0x3FBA];
	_ =	sdelay $0x3  }
0x37: {  	[smem:$0x3FBA] =	sst s10  }
0x38: {  	s10 =	sld [smem:$0x3FBB]  }
0x39: {  	_ = 	snop;
	(pc) =	sbr.ind lr, $3  }
0x3a: {  	_ = 	snop  }
0x3b: {  	_ = 	snop  }
0x3c: {  	p2 =	seq.s32 s10, $0x1;
	s10 =	sld [smem:$0x3FBA]  }
0x3d: {  	_ =	shalt  }
0x3e: {  	_ =	shalt  }
0x3f: {  	_ =	shalt  }
0x40: {  	_ =	shalt  }
0x41: {  	_ =	shalt  }
0x42: {  	_ =	shalt  }
0x43: {  	_ =	shalt  }
0x44: {  	_ =	shalt  }
0x45: {  	_ =	shalt  }
0x46: {  	_ =	shalt  }
0x47: {  	_ =	shalt  }
0x48: {  	_ =	shalt  }
0x49: {  	_ =	shalt  }
0x4a: {  	_ =	shalt  }
0x4b: {  	_ =	shalt  }
0x4c: {  	_ =	shalt  }
0x4d: {  	_ =	shalt  }
0x4e: {  	_ =	shalt  }
0x4f: {  	_ =	shalt  }
0x50: {  	_ =	shalt  }
0x51: {  	_ =	shalt  }
0x52: {  	_ =	shalt  }
0x53: {  	_ =	shalt  }
0x54: {  	_ =	shalt  }
0x55: {  	_ =	shalt  }
0x56: {  	_ =	shalt  }
0x57: {  	_ =	shalt  }
0x58: {  	_ =	shalt  }
0x59: {  	_ =	shalt  }
0x5a: {  	_ =	shalt  }
0x5b: {  	_ =	shalt  }
0x5c: {  	_ =	shalt  }
0x5d: {  	_ =	shalt  }
0x5e: {  	_ =	shalt  }
0x5f: {  	_ =	shalt  }
0x60: {  	_ =	shalt  }
0x61: {  	_ =	shalt  }
0x62: {  	_ =	shalt  }
0x63: {  	_ =	shalt  }
0x64: {  	_ =	shalt  }
0x65: {  	_ =	shalt  }
0x66: {  	_ =	shalt  }
0x67: {  	_ =	shalt  }
0x68: {  	_ =	shalt  }
0x69: {  	_ =	shalt  }
0x6a: {  	_ =	shalt  }
0x6b: {  	_ =	shalt  }
0x6c: {  	_ =	shalt  }
0x6d: {  	_ =	shalt  }
0x6e: {  	_ =	shalt  }
0x6f: {  	_ =	shalt  }
0x70: {  	_ =	shalt  }
0x71: {  	_ =	shalt  }
0x72: {  	_ =	shalt  }
0x73: {  	_ =	shalt  }
0x74: {  	_ =	shalt  }
0x75: {  	_ =	shalt  }
0x76: {  	_ =	shalt  }
0x77: {  	_ =	shalt  }
0x78: {  	_ =	shalt  }
0x79: {  	_ =	shalt  }
0x7a: {  	_ =	shalt  }
0x7b: {  	_ =	shalt  }
0x7c: {  	_ =	shalt  }
0x7d: {  	_ =	shalt  }
0x7e: {  	_ =	shalt  }
0x7f: {  	_ =	shalt  }
0x80: {  	_ =	shalt  }
0x81: {  	_ =	shalt  }
0x82: {  	_ =	shalt  }
0x83: {  	_ =	shalt  }
0x84: {  	_ =	shalt  }
0x85: {  	_ =	shalt  }
0x86: {  	_ =	shalt  }
0x87: {  	_ =	shalt  }
.Lfunc_end0:
.L_simem_size_0:
called_computation.1_lowered:
.L_overlay_start_0:
0x88: {  	s2 =	sld [smem:$0x3FD9]  }
0x89: {  	s3 =	sld [smem:$0x3FFE];
	_ =	sdelay $0x1  }
0x8a: {  	s1 =	srdreg.scid  }
0x8b: {  	s0 =	sand.u32 $0x1, s1  }
0x8c: {  	s17 =	sshll.u32 s0, $0xA;
	s2 =	sadd.s32 s3, s2  }
0x8d: {  	s2 =	sadd.s32 s2, s17  }
0x8e: {  	[smem:$0x3FC6] =	sst s2  }
0x8f: {  	_ = 	snop  }
0x90: {  	s2 =	sld [smem:$0x3FD0];
	(tm) =	ssettm $0x1  }
0x91: {  	s18 =	sld [smem:$0x3FFB];
	_ =	sdelay $0x3  }
0x92: {  	_ =	strace s18  }
0x93: {  	s3 =	sld [smem:$0x3FFC];
	_ =	sdelay $0x3  }
0x94: {  	_ =	strace s3  }
0x95: {  	s3 =	sld [smem:$0x3FFD];
	_ =	sdelay $0x3  }
0x96: {  	_ =	strace s3  }
0x97: {  	_ =	strace $0x8FFFFFFF  }
0x98: {  	s19 =	sld [smem:$0x3FDB];
	_ =	sdelay $0x1  }
0x99: {  	s4 =	simm.s32 $_scs_section_size  }
0x9a: {  	s5 =	simm.s32 $_size__tile_overlayer_lowered;
	s6 =	simm.s32 $_tile_overlayer_lowered  }
0x9b: {  	s22 =	simm.s32 $0x1BFF;
	s21 =	sshll.u32 s6, $0x1;
	s3 =	sadd.s32 s4, s19  }
0x9c: {  	s7 =	simm.s32 $0x0;
	s20 =	sshll.u32 s5, $0x1;
	s5 =	sadd.s32 s21, s3  }
0x9d: {  	[timem:s7], [sflag:s22] =	dma.local [hbm:s5], s20  }
0x9e: {  	_ =	swait.ge [sflag:s22], s20  }
0x9f: {  	s4 =	ssub.s32 $0x0, s20;
	[sflag:s22] =	ssyncset.done $0x0  }
0xa0: {  	[sflag:s22] =	ssyncadd.s32 s4;
	_ =	sdelay $0x1  }
0xa1: {  	s23 =	simm.s32 $0x1B8B  }
0xa2: {  	_ =	swait.ge [sflag:s23], $0x1  }
0xa3: {  	[sflag:s23] =	ssyncset.done $0x0  }
0xa4: {  	s25 =	simm.s32 $0x1B8E;
	s24 =	sld [smem:$0x3FFE];
	[sflag:s23] =	ssyncadd.s32 $0xFFFFFFFF  }
0xa5: {  	s26 =	simm.s32 $execute0_lowered;
	[smem:$0x3FD2] =	sst s25  }
0xa6: {  	s5 =	sshll.u32 s26, $0x1;
	_ =	strace $0x80000046;
	[dreg:$0x1] =	wrdreg $0xFFFFFFFF  }
0xa7: {  	s28 =	simm.s32 $_size_execute0_lowered;
	s3 =	sadd.s32 s3, s5;
	[dreg:$0x0] =	wrdreg $0x0  }
0xa8: {  	s5 =	sshll.u32 s28, $0x1;
	[dreg:$0x2] =	wrdreg s3  }
0xa9: {  	[dreg:$0x3] =	wrdreg s5  }
0xaa: {  	[dreg:$0x4] =	wrdreg $0xC0  }
0xab: {  	_ =	task [dreg:s7], $0x5FFFF  }
0xac: {  	[dreg:$0x1] =	wrdreg $0xFFFFFFFF  }
0xad: {  	[dreg:$0x0] =	wrdreg $0x60  }
0xae: {  	[dreg:$0x2] =	wrdreg s2  }
0xaf: {  	[dreg:$0x3] =	wrdreg s24  }
0xb0: {  	[dreg:$0x4] =	wrdreg $0x9  }
0xb1: {  	_ =	task.clear_ibuf [dreg:s7], $0x5FFFF;
	_ =	strace $0x90000046  }
0xb2: {  	s29 =	simm.s32 $0x9;
	_ =	strace $0x80000048  }
0xb3: {  	_ =	swait.ge [sflag:s29], $0x1  }
0xb4: {  	[sflag:s29] =	ssyncadd.s32 $0xFFFFFFFF  }
0xb5: {  	_ =	strace $0x90000048  }
0xb6: {  	_ =	sfence  }
0xb7: {  	s30 =	sld [smem:$0x0];
	_ =	sdelay $0x2  }
0xb8: {  	s31 =	sshll.u32 s1, $0xD;
	s1 =	sshrl.u32 s1, $0x2  }
0xb9: {  	s3 =	sand.u32 $0x4000, s31;
	s1 =	sadd.s32 s1, s30  }
0xba: {  	s0 =	sor.u32 s3, s0;
	s1 =	sshll.u32 s1, $0x11  }
0xbb: {  	s0 =	sor.u32 s1, s0  }
0xbc: {  	s0 =	sadd.s32 $0x8F2B, s0  }
0xbd: {  	[sflag:s0] =	ssyncadd.remote.s32 $0x1  }
0xbe: {  	_ =	sfence.sel $0xFFFF  }
0xbf: {  	[dreg:$0x0] =	wrdreg $0xFFFFFFFF;
	(pc) =	sbr.abs _section_cstart, $3  }
0xc0: {  	[dreg:$0x1] =	wrdreg $0xFFFFFFFF  }
0xc1: {  	_ =	task.clear_ibuf [dreg:s7], $0x2FFFF;
	_ =	strace $0x9FFFFFFF  }
0xc2: {  	(tm) =	ssettm $0x7FFFFFFF  }
0xc3: {  	_ =	shalt  }
tec
execute0_lowered:
.L_overlay_start_1:
0x0: {  	(tag) =	ssettag $0x1  }
0x1: {  	s4 =	rddreg [dreg:$0x0];
	s0 =	srdreg.scid  }
0x2: {  	s5 =	rddreg [dreg:$0x1];
	s1 =	stileid.u32  }
0x3: {  	s2 =	simm.s32 $0x0;
	s10 =	simm.s32 $0x60;
	s11 =	simm.s32 $0x7E00  }
0x4: {  	s12 =	simm.s32 $0xC8;
	s13 =	simm.s32 $0x9600;
	s14 =	simm.s32 $0x130  }
0x5: {  	s15 =	simm.s32 $0xB000;
	s16 =	simm.s32 $0x190;
	s17 =	simm.s32 $0xC800  }
0x6: {  	s18 =	simm.s32 $0x1F8;
	s19 =	simm.s32 $0xE200;
	s20 =	simm.s32 $0x258  }
0x7: {  	s21 =	simm.s32 $0xFA00;
	s22 =	simm.s32 $0x2C0;
	s23 =	simm.s32 $0x11400  }
0x8: {  	s24 =	simm.s32 $0x1;
	s25 =	simm.s32 $0x40;
	s28 =	simm.s32 $0x2  }
0x9: {  	s29 =	simm.s32 $0x0;
	s3 =	sand.u32 $0x1, s0;
	s6 =	sshll.u32 s1, $0x8  }
0xa: {  	s8 =	smul.u32 $0xC8000, s1;
	[smem:$0x7FF] =	sst s2;
	s7 =	sshll.u32 s3, $0x7  }
0xb: {  	_ =	strace $0x80000047;
	s26 =	ssub.s32 $0x2, s3;
	s9 =	smul.u32 $0x64000, s3  }
.Ltmp0:
0xc: {  	s3 =	sadd.s32 $0xF42E00, s5;
	s6 =	sor.u32 s7, s6;
	(pc) =	sbr.rel .LBB2_1-.Ltmp0, $4  }
0xd: {  	s5 =	sadd.s32 s8, s5;
	s30 =	sshrl.u32 s26, $0x1;
	s8 =	simm.s32 $0x68  }
0xe: {  	s6 =	smul.u32 $0x19, s6;
	s7 =	ssub.s32 s26, s30;
	s31 =	sadd.s32 s9, s5  }
0xf: {  	s9 =	simm.s32 $0x6400;
	s26 =	simm.s32 $0x80;
	s5 =	smax.u32 s7, $0x1  }
0x10: {  	s7 =	simm.s32 $0x3;
	s4 =	sadd.s32 s4, s6;
	s6 =	sadd.s32 $0xA00, s31  }
.LBB2_3:
0x11: {  	_ =	swait.ge [sflag:s28], $0x3200  }
0x12: {  	[sflag:s28] =	ssyncset.done $0x0  }
0x13: {  	[sflag:s28] =	ssyncadd.s32 $0xFFFFCE00  }
0x14: {  	_ =	swait.ge [sflag:s28], $0x3200  }
0x15: {  	[sflag:s28] =	ssyncset.done $0x0  }
0x16: {  	[sflag:s28] =	ssyncadd.s32 $0xFFFFCE00  }
0x17: {  	_ =	swait.ge [sflag:s28], $0x3200  }
0x18: {  	[sflag:s28] =	ssyncset.done $0x0  }
0x19: {  	[sflag:s28] =	ssyncadd.s32 $0xFFFFCE00  }
.LBB2_5:
0x1a: {  	s29 =	sadd.s32 $0x1, s29  }
0x1b: {  	p0 =	sne.s32 s29, s5  }
.Ltmp1:
0x1c: {  	_ = 	snop;
	(pc) =	sbr.rel @!p0 .LBB2_6-.Ltmp1, $1  }
0x1d: {  	_ =	sdelay $0x3  }
.LBB2_1:
0x1e: {  	[tilespmem:s2], [sflag:$0x3] =	stream.linear.gather [hbm4b:s4+s2], $0x6400, $0x38;
	[tilespmem:$0x12C00] =	vst v63  }
0x1f: {  	_ =	swait.ge [sflag:s7], $0x6400  }
0x20: {  	[sflag:s7] =	ssyncset.done $0x0  }
0x21: {  	[sflag:s7] =	ssyncadd.s32 $0xFFFF9C00  }
0x22: {  	[tilespmem:s9], [sflag:$0x1] =	stream.indirect.gather [hbm4b:s3+s8], $0x40, s2, s8, $0xb8;
	[tilespmem:$0x12C00] =	vst v63  }
0x23: {  	_ = 	snop  }
0x24: {  	[tilespmem:s11], [sflag:$0x1] =	stream.indirect.gather [hbm4b:s3+s10], $0x40, s8, s10, $0xb8;
	[tilespmem:$0x12C00] =	vst v63  }
0x25: {  	_ = 	snop  }
0x26: {  	[tilespmem:s13], [sflag:$0x1] =	stream.indirect.gather [hbm4b:s3+s8], $0x40, s12, s8, $0xb8;
	[tilespmem:$0x12C00] =	vst v63  }
0x27: {  	_ = 	snop  }
0x28: {  	[tilespmem:s15], [sflag:$0x1] =	stream.indirect.gather [hbm4b:s3+s10], $0x40, s14, s10, $0xb8;
	[tilespmem:$0x12C00] =	vst v63  }
0x29: {  	_ = 	snop  }
0x2a: {  	[tilespmem:s17], [sflag:$0x1] =	stream.indirect.gather [hbm4b:s3+s8], $0x40, s16, s8, $0xb8;
	[tilespmem:$0x12C00] =	vst v63  }
0x2b: {  	_ = 	snop  }
0x2c: {  	[tilespmem:s19], [sflag:$0x1] =	stream.indirect.gather [hbm4b:s3+s10], $0x40, s18, s10, $0xb8;
	[tilespmem:$0x12C00] =	vst v63  }
0x2d: {  	_ = 	snop  }
0x2e: {  	[tilespmem:s21], [sflag:$0x1] =	stream.indirect.gather [hbm4b:s3+s8], $0x40, s20, s8, $0xb8;
	[tilespmem:$0x12C00] =	vst v63  }
0x2f: {  	s30 =	smov.u32 s6;
	s31 =	simm.s32 $0x0  }
0x30: {  	[tilespmem:s23], [sflag:$0x1] =	stream.indirect.gather [hbm4b:s3+s10], $0x40, s22, s10, $0xb8;
	[tilespmem:$0x12C00] =	vst v63  }
.LBB2_2:
0x31: {  	_ =	swait.ge [sflag:s24], $0x1A00  }
0x32: {  	[sflag:s24] =	ssyncset.done $0x0  }
0x33: {  	[sflag:s24] =	ssyncadd.s32 $0xFFFFE600  }
0x34: {  	_ =	swait.ge [sflag:s24], $0x1800  }
0x35: {  	[sflag:s24] =	ssyncset.done $0x0  }
0x36: {  	[sflag:s24] =	ssyncadd.s32 $0xFFFFE800  }
0x37: {  	[hbm4b:s30+s25] =	stream.strided.scatter [tilespmem:s9], [sflag:$0x2], $0x3200, s26, s25, $0x38;
	[tilespmem:$0x12C00] =	vst v63  }
0x38: {  	_ =	swait.ge [sflag:s24], $0x1A00  }
0x39: {  	[sflag:s24] =	ssyncset.done $0x0  }
0x3a: {  	[sflag:s24] =	ssyncadd.s32 $0xFFFFE600  }
0x3b: {  	_ =	swait.ge [sflag:s24], $0x1800  }
0x3c: {  	[sflag:s24] =	ssyncset.done $0x0  }
0x3d: {  	s0 =	sadd.s32 $0xC80, s30;
	[sflag:s24] =	ssyncadd.s32 $0xFFFFE800  }
0x3e: {  	[hbm4b:s0+s25] =	stream.strided.scatter [tilespmem:s13], [sflag:$0x2], $0x3200, s26, s25, $0x38;
	[tilespmem:$0x12C00] =	vst v63  }
0x3f: {  	_ =	swait.ge [sflag:s24], $0x1A00  }
0x40: {  	[sflag:s24] =	ssyncset.done $0x0  }
0x41: {  	[sflag:s24] =	ssyncadd.s32 $0xFFFFE600  }
0x42: {  	_ =	swait.ge [sflag:s24], $0x1800  }
0x43: {  	[sflag:s24] =	ssyncset.done $0x0  }
0x44: {  	s1 =	sadd.s32 $0x1900, s30;
	[sflag:s24] =	ssyncadd.s32 $0xFFFFE800  }
0x45: {  	[hbm4b:s1+s25] =	stream.strided.scatter [tilespmem:s17], [sflag:$0x2], $0x3200, s26, s25, $0x38;
	[tilespmem:$0x12C00] =	vst v63  }
0x46: {  	_ =	swait.ge [sflag:s24], $0x1A00  }
0x47: {  	[sflag:s24] =	ssyncset.done $0x0  }
0x48: {  	[sflag:s24] =	ssyncadd.s32 $0xFFFFE600  }
0x49: {  	_ =	swait.ge [sflag:s24], $0x1800  }
0x4a: {  	p0 =	sne.s32 s31, $0x18380;
	[sflag:s24] =	ssyncset.done $0x0  }
.Ltmp2:
0x4b: {  	s1 =	sadd.s32 $0x2580, s30;
	[sflag:s24] =	ssyncadd.s32 $0xFFFFE800;
	(pc) =	sbr.rel @!p0 .LBB2_3-.Ltmp2, $4  }
0x4c: {  	[hbm4b:s1+s25] =	stream.strided.scatter [tilespmem:s21], [sflag:$0x2], $0x3200, s26, s25, $0x38;
	[tilespmem:$0x12C00] =	vst v63  }
0x4d: {  	_ =	swait.ge [sflag:s28], $0x3200  }
0x4e: {  	[sflag:s28] =	ssyncset.done $0x0  }
0x4f: {  	[sflag:s28] =	ssyncadd.s32 $0xFFFFCE00  }
0x50: {  	s0 =	sshra.s32 s31, $0x2  }
0x51: {  	s1 =	sadd.s32 $0x320, s0  }
0x52: {  	[tilespmem:s9], [sflag:$0x1] =	stream.indirect.gather [hbm4b:s3+s8], $0x40, s1, s8, $0xb8;
	[tilespmem:$0x12C00] =	vst v63  }
0x53: {  	s1 =	sadd.s32 $0x388, s0  }
0x54: {  	[tilespmem:s11], [sflag:$0x1] =	stream.indirect.gather [hbm4b:s3+s10], $0x40, s1, s10, $0xb8;
	[tilespmem:$0x12C00] =	vst v63  }
0x55: {  	_ =	swait.ge [sflag:s28], $0x3200  }
0x56: {  	[sflag:s28] =	ssyncset.done $0x0  }
0x57: {  	s1 =	sadd.s32 $0x3E8, s0;
	[sflag:s28] =	ssyncadd.s32 $0xFFFFCE00  }
0x58: {  	[tilespmem:s13], [sflag:$0x1] =	stream.indirect.gather [hbm4b:s3+s8], $0x40, s1, s8, $0xb8;
	[tilespmem:$0x12C00] =	vst v63  }
0x59: {  	s1 =	sadd.s32 $0x450, s0  }
0x5a: {  	[tilespmem:s15], [sflag:$0x1] =	stream.indirect.gather [hbm4b:s3+s10], $0x40, s1, s10, $0xb8;
	[tilespmem:$0x12C00] =	vst v63  }
0x5b: {  	_ =	swait.ge [sflag:s28], $0x3200  }
0x5c: {  	[sflag:s28] =	ssyncset.done $0x0  }
0x5d: {  	s1 =	sadd.s32 $0x4B0, s0;
	[sflag:s28] =	ssyncadd.s32 $0xFFFFCE00  }
0x5e: {  	[tilespmem:s17], [sflag:$0x1] =	stream.indirect.gather [hbm4b:s3+s8], $0x40, s1, s8, $0xb8;
	[tilespmem:$0x12C00] =	vst v63  }
0x5f: {  	s31 =	sadd.s32 $0xC80, s31;
	s1 =	sadd.s32 $0x518, s0  }
0x60: {  	[tilespmem:s19], [sflag:$0x1] =	stream.indirect.gather [hbm4b:s3+s10], $0x40, s1, s10, $0xb8;
	[tilespmem:$0x12C00] =	vst v63  }
0x61: {  	p0 =	sne.s32 s31, $0x19000;
	_ =	swait.ge [sflag:s28], $0x3200  }
.Ltmp3:
0x62: {  	[sflag:s28] =	ssyncset.done $0x0;
	(pc) =	sbr.rel @p0 .LBB2_2-.Ltmp3, $4  }
.Ltmp4:
0x63: {  	s1 =	sadd.s32 $0x578, s0;
	[sflag:s28] =	ssyncadd.s32 $0xFFFFCE00;
	(pc) =	sbr.rel @!p0 .LBB2_5-.Ltmp4, $4  }
0x64: {  	[tilespmem:s21], [sflag:$0x1] =	stream.indirect.gather [hbm4b:s3+s8], $0x40, s1, s8, $0xb8;
	[tilespmem:$0x12C00] =	vst v63  }
0x65: {  	s30 =	sadd.s32 $0x3200, s30;
	s0 =	sadd.s32 $0x5E0, s0  }
0x66: {  	[tilespmem:s23], [sflag:$0x1] =	stream.indirect.gather [hbm4b:s3+s10], $0x40, s0, s10, $0xb8;
	[tilespmem:$0x12C00] =	vst v63  }
0x67: {  	_ = 	snop  }
.LBB2_6:
0x68: {  	_ =	sfence.sel $0x180000  }
0x69: {  	[bflag:$0x0] =	sbarrier.arrive $0xFFFF  }
0x6a: {  	_ =	strace $0x90000047  }
0x6b: {  	s0 =	stileid.u32;
	[bflag:$0x2] =	sbarrier.arrive $0xFFFF  }
0x6c: {  	p0 =	sne.s32 s0, $0x0;
	s0 =	rddreg [dreg:$0x2]  }
0x6d: {  	s0 =	sadd.s32 @!p0 $0x100000, s0  }
0x6e: {  	[sflag:s0] =	ssyncadd.tile.s32 @!p0 $0x1;
	_ =	shalt  }
.Lfunc_end2:
_tile_overlayer_lowered:
.L_overlay_start_2:
0x6f: {  	(tag) =	ssettag $0x2  }
0x70: {  	s0 =	rddreg [dreg:$0x0];
	s2 =	stileid.u32  }
0x71: {  	s1 =	rddreg [dreg:$0x1];
	p0 =	sne.s32 s2, $0x0  }
0x72: {  	s3 =	rddreg [dreg:$0x2];
	[bflag:$0x3] =	sbarrier.arrive $0xFFFF;
	s2 =	simm.s32 @!p0 $0x1C03  }
0x73: {  	[timem:s3], [sflag:s2] =	dma.local @!p0 [hbm:s0], s1  }
0x74: {  	s0 =	simm.s32 @!p0 $0x3  }
0x75: {  	_ =	swait.ge @!p0 [sflag:s0], s1  }
0x76: {  	s1 =	ssub.s32 @!p0 $0x0, s1;
	[sflag:s0] =	ssyncset.done @!p0 $0x0  }
0x77: {  	[sflag:s0] =	ssyncadd.s32 @!p0 s1  }
0x78: {  	[bflag:$0x3] =	sbarrier.arrive $0xFFFF  }
0x79: {  	_ =	shalt  }

// kernel: sparse-core-data-format-call.cloned.1.call-start
scs
called_computation_lowered:
.L_overlay_start_0:
0x0: {  	s2 =	sld [smem:$0x3FD9]  }
0x1: {  	s3 =	sld [smem:$0x3FFE];
	_ =	sdelay $0x1  }
0x2: {  	s1 =	srdreg.scid  }
0x3: {  	s0 =	sand.u32 $0x1, s1  }
0x4: {  	s18 =	sshll.u32 s0, $0xA;
	s2 =	sadd.s32 s3, s2  }
0x5: {  	s2 =	sadd.s32 s2, s18  }
0x6: {  	[smem:$0x3FC6] =	sst s2  }
0x7: {  	_ = 	snop  }
0x8: {  	s2 =	sld [smem:$0x3FD0];
	(tm) =	ssettm $0x1  }
0x9: {  	s19 =	sld [smem:$0x3FFB];
	_ =	sdelay $0x3  }
0xa: {  	_ =	strace s19  }
0xb: {  	s3 =	sld [smem:$0x3FFC];
	_ =	sdelay $0x3  }
0xc: {  	_ =	strace s3  }
0xd: {  	s3 =	sld [smem:$0x3FFD];
	_ =	sdelay $0x3  }
0xe: {  	_ =	strace s3  }
0xf: {  	_ =	strace $0x8FFFFFFF  }
0x10: {  	s20 =	sld [smem:$0x3FDB];
	_ =	sdelay $0x1  }
0x11: {  	s4 =	simm.s32 $_scs_section_size  }
0x12: {  	s5 =	simm.s32 $_size__tile_overlayer_lowered;
	s6 =	simm.s32 $_tile_overlayer_lowered  }
0x13: {  	s23 =	simm.s32 $0x1BFF;
	s22 =	sshll.u32 s6, $0x1;
	s3 =	sadd.s32 s4, s20  }
0x14: {  	s7 =	simm.s32 $0x0;
	s21 =	sshll.u32 s5, $0x1;
	s5 =	sadd.s32 s22, s3  }
0x15: {  	[timem:s7], [sflag:s23] =	dma.local [hbm:s5], s21  }
0x16: {  	_ =	swait.ge [sflag:s23], s21  }
0x17: {  	s4 =	ssub.s32 $0x0, s21;
	[sflag:s23] =	ssyncset.done $0x0  }
0x18: {  	[sflag:s23] =	ssyncadd.s32 s4;
	_ =	sdelay $0x1  }
0x19: {  	s24 =	simm.s32 $0x1B8B  }
0x1a: {  	_ =	swait.ge [sflag:s24], $0x1  }
0x1b: {  	[sflag:s24] =	ssyncset.done $0x0  }
0x1c: {  	s26 =	simm.s32 $0x1B8E;
	s25 =	sld [smem:$0x3FFE];
	[sflag:s24] =	ssyncadd.s32 $0xFFFFFFFF  }
0x1d: {  	s27 =	simm.s32 $execute0_lowered;
	[smem:$0x3FD2] =	sst s26  }
0x1e: {  	s5 =	sshll.u32 s27, $0x1;
	_ =	strace $0x80000049;
	[dreg:$0x1] =	wrdreg $0xFFFFFFFF  }
0x1f: {  	s28 =	simm.s32 $_size_execute0_lowered;
	s3 =	sadd.s32 s3, s5;
	[dreg:$0x0] =	wrdreg $0x0  }
0x20: {  	s5 =	sshll.u32 s28, $0x1;
	[dreg:$0x2] =	wrdreg s3  }
0x21: {  	[dreg:$0x3] =	wrdreg s5  }
0x22: {  	[dreg:$0x4] =	wrdreg $0xC0  }
0x23: {  	_ =	task [dreg:s7], $0x5FFFF  }
0x24: {  	[dreg:$0x1] =	wrdreg $0xFFFFFFFF  }
0x25: {  	[dreg:$0x0] =	wrdreg $0x60  }
0x26: {  	[dreg:$0x2] =	wrdreg s25  }
0x27: {  	[dreg:$0x3] =	wrdreg s2  }
0x28: {  	[dreg:$0x4] =	wrdreg $0x9  }
0x29: {  	_ =	task.clear_ibuf [dreg:s7], $0x5FFFF;
	_ =	strace $0x90000049  }
0x2a: {  	s29 =	simm.s32 $0x9;
	_ =	strace $0x8000004B  }
0x2b: {  	_ =	swait.ge [sflag:s29], $0x1  }
0x2c: {  	[sflag:s29] =	ssyncadd.s32 $0xFFFFFFFF  }
0x2d: {  	_ =	strace $0x9000004B  }
0x2e: {  	_ =	sfence  }
0x2f: {  	s30 =	sld [smem:$0x0];
	_ =	sdelay $0x2  }
0x30: {  	s31 =	sshll.u32 s1, $0xD;
	s1 =	sshrl.u32 s1, $0x2  }
0x31: {  	s3 =	sand.u32 $0x4000, s31;
	s1 =	sadd.s32 s1, s30  }
0x32: {  	s0 =	sor.u32 s3, s0;
	s1 =	sshll.u32 s1, $0x11  }
0x33: {  	s0 =	sor.u32 s1, s0  }
0x34: {  	s0 =	sadd.s32 $0x8F2B, s0  }
0x35: {  	[sflag:s0] =	ssyncadd.remote.s32 $0x1  }
0x36: {  	_ =	sfence.sel $0xFFFF  }
0x37: {  	[dreg:$0x0] =	wrdreg $0xFFFFFFFF;
	(pc) =	sbr.abs _section_cstart, $3  }
0x38: {  	[dreg:$0x1] =	wrdreg $0xFFFFFFFF  }
0x39: {  	_ =	task.clear_ibuf [dreg:s7], $0x2FFFF;
	_ =	strace $0x9FFFFFFF  }
0x3a: {  	(tm) =	ssettm $0x7FFFFFFF  }
0x3b: {  	_ =	shalt  }
tec
execute0_lowered:
.L_overlay_start_1:
0x0: {  	(tag) =	ssettag $0x1  }
0x1: {  	s0 =	srdreg.scid  }
0x2: {  	s1 =	sshll.u32 s0, $0x4  }
0x3: {  	s0 =	stileid.u32;
	s1 =	sand.u32 $0x10, s1  }
0x4: {  	s1 =	sor.u32 s0, s1  }
0x5: {  	s6 =	rddreg [dreg:$0x0];
	s4 =	simm.s32 $0x1;
	s2 =	sshll.u32 s1, $0x7  }
0x6: {  	s7 =	simm.s32 $0x2;
	s12 =	simm.s32 $0x0;
	s1 =	ssub.s32 $0x1000, s2  }
0x7: {  	s8 =	simm.s32 $0x8000;
	s13 =	simm.s32 $0x0;
	s3 =	sand.u32 $0xF80, s1  }
0x8: {  	s9 =	simm.s32 $0x0;
	s5 =	sshrl.u32 s1, $0xC;
	p0 =	sne.s32 s3, $0x0  }
.Ltmp0:
0x9: {  	s1 =	rddreg [dreg:$0x2];
	s4 =	simm.s32 @!p0 $0x0;
	(pc) =	sbr.rel .LBB1_1-.Ltmp0, $4  }
0xa: {  	s11 =	simm.s32 $0x0;
	s3 =	rddreg [dreg:$0x1];
	s5 =	sadd.s32 s4, s5  }
0xb: {  	_ =	strace $0x8000004A;
	s4 =	simm.s32 $0x1;
	s5 =	smul.u32 $0xC8, s5  }
0xc: {  	s6 =	sadd.s32 $0xA00, s6;
	s10 =	smov.u32 s2;
	[sflag:s4] =	ssyncpa.u1 $0x0  }
0xd: {  	p0 =	por $0x0, $0x0;
	[sflag:s7] =	ssyncpa.u1 $0x0;
	s7 =	sor.u32 $0x1, s5  }
.LBB1_4:
0xe: {  	s16 =	sshll.u32 s13, $0x3;
	s17 =	sand.u32 $0x78, s13  }
0xf: {  	s30 =	sand.u32 $0x7E00, s13;
	s12 =	sshll.u32 s12, $0xF;
	s16 =	sand.u32 $0xC00, s16  }
0x10: {  	[tilespmem:s15+$0x810 ss:$0x81] =	vst.msk $0xffff, v2;
	s31 =	sand.u32 $0x7, s13;
	s16 =	sor.u32 s17, s16;
	s17 =	sadd.s32 s3, s30  }
0x11: {  	[tilespmem:s15+$0x1020 ss:$0x81] =	vst.msk $0xffff, v0;
	s13 =	sshll.u32 s31, $0x12;
	s12 =	sadd.s32 s12, s17;
	s16 =	sshrl.u32 s16, $0x3  }
0x12: {  	[tilespmem:s15+$0x0 ss:$0x81] =	vst.msk $0xffff, v1;
	s13 =	sor.u32 $0x400, s13;
	s12 =	sadd.s32 s16, s12  }
0x13: {  	[hbm4b:s12+s13] =	stream.strided.scatter [tilespmem:s14], [sflag:$0x2], $0x2000, s8, s13, $0x20;
	[tilespmem:$0x8080] =	vst v63  }
.LBB1_5:
0x14: {  	s14 =	sadd.s32 $0x1, s9  }
0x15: {  	s12 =	sadd.s32 $0x1000, s10;
	s16 =	smov.u32 s10;
	p2 =	sgt.s32 s14, $0xC7  }
0x16: {  	s16 =	smov.u32 @p2 s12  }
0x17: {  	s14 =	simm.s32 @p2 $0x0;
	p2 =	sgt.s32 s16, $0xFFF  }
0x18: {  	s16 =	smov.u32 @p2 s2;
	p2 =	sne.s32 s11, s7  }
.Ltmp1:
0x19: {  	p1 =	slt.u32 s11, $0x2;
	(pc) =	sbr.rel @!p2 .LBB1_6-.Ltmp1, $4  }
0x1a: {  	s15 =	simm.s32 @!p1 $0x2  }
0x1b: {  	s13 =	smov.u32 s10;
	p0 =	por !p0, !p0;
	_ =	swait.ge @!p1 [sflag:s15], $0x2000  }
0x1c: {  	s12 =	smov.u32 s9;
	[sflag:s15] =	ssyncset.done @!p1 $0x0;
	s9 =	smov.u32 s14  }
0x1d: {  	s11 =	sadd.s32 $0x1, s11;
	[sflag:s15] =	ssyncadd.s32 @!p1 $0xFFFFE000;
	s10 =	smov.u32 s16  }
.LBB1_1:
0x1e: {  	p1 =	sge.u32 s11, s5  }
0x1f: {  	s14 =	sand.u32 @!p1 $0x1FFFFFF, s9  }
0x20: {  	s15 =	smulhi.u32 @!p1 $0x147AE15, s14;
	_ =	sdelay $0x1  }
0x21: {  	s15 =	smul.u32 @!p1 $0xC8, s15  }
0x22: {  	s16 =	sxor.u32 @!p1 $0xFFFFFFFF, s11;
	s17 =	smul.u32 @!p1 $0xC80, s10  }
0x23: {  	s31 =	sadd.s32 $0xFFFFFFFF, s11;
	s16 =	sshll.u32 @!p1 s16, $0xD;
	s14 =	ssub.s32 @!p1 s14, s15  }
0x24: {  	s15 =	sand.u32 @!p1 $0x2000, s16;
	s16 =	sadd.s32 @!p1 s6, s17;
	s14 =	sshll.u32 @!p1 s14, $0x4  }
0x25: {  	s17 =	simm.s32 @!p1 $0x6400;
	s14 =	sadd.s32 @!p1 s14, s16;
	s16 =	simm.s32 @!p1 $0x40  }
0x26: {  	[tilespmem:s15], [sflag:$0x1] =	stream.strided.gather @!p1 [hbm4b:s14+s16], $0x2000, s17, s16, $0x38;
	[tilespmem:$0x8080] =	vst v63  }
0x27: {  	p1 =	sge.u32 s31, s5  }
.Ltmp2:
0x28: {  	_ = 	snop;
	(pc) =	sbr.rel @p1 .LBB1_5-.Ltmp2, $1  }
0x29: {  	_ =	sdelay $0x3  }
0x2a: {  	s14 =	simm.s32 $0x1  }
0x2b: {  	_ =	swait.ge [sflag:s4], $0x2000;
	s14 =	simm.s32 @!p0 $0x0  }
0x2c: {  	[sflag:s4] =	ssyncset.done $0x0;
	s15 =	sshll.u32 s14, $0xD  }
0x2d: {  	[sflag:s4] =	ssyncadd.s32 $0xFFFFE000;
	s18 =	sor.u32 $0x20, s15  }
0x2e: {  	s14 =	smul.u32 $0x8100, s14;
	v3 =	vld [tilespmem:s18+$0x10]  }
0x2f: {  	s30 =	sand.u32 $0x1, s11;
	v2 =	vld [tilespmem:s18+$0xFFFFFFF0]  }
0x30: {  	s15 =	smul.u32 $0x8100, s30;
	s14 =	sshrl.u32 s14, $0x2;
	v0 =	vld [tilespmem:s18+$0x0]  }
0x31: {  	v1 =	vld [tilespmem:s18+$0xFFFFFFE0];
	s16 =	sor.u32 $0x4000, s14  }
0x32: {  	s31 =	sshrl.u32 s15, $0x2;
	s15 =	sadd.s32 $0x0, s16  }
0x33: {  	s17 =	simm.s32 $0x4;
	s18 =	sadd.s32 $0x40, s18;
	s14 =	sor.u32 $0x4000, s31;
	[tilespmem:s15+$0x1830 ss:$0x81] =	vst.msk $0xffff, v3  }
.LBB1_3:
0x34: {  	v3 =	vld [tilespmem:s18+$0x10];
	p1 =	sne.s32 s17, $0x1FC;
	[tilespmem:s15+$0x810 ss:$0x81] =	vst.msk $0xffff, v2;
	s19 =	smov.u32 s17;
	s17 =	sadd.s32 $0x4, s17  }
.Ltmp3:
0x35: {  	v2 =	vld [tilespmem:s18+$0xFFFFFFF0];
	[tilespmem:s15+$0x1020 ss:$0x81] =	vst.msk $0xffff, v0;
	(pc) =	sbr.rel @p1 .LBB1_3-.Ltmp3, $4  }
0x36: {  	v0 =	vld [tilespmem:s18+$0x0];
	[tilespmem:s15+$0x0 ss:$0x81] =	vst.msk $0xffff, v1  }
0x37: {  	s15 =	sshra.s32 s19, $0x2;
	v1 =	vld [tilespmem:s18+$0xFFFFFFE0]  }
0x38: {  	s15 =	sadd.s32 s15, s16  }
0x39: {  	s18 =	sadd.s32 $0x40, s18;
	[tilespmem:s15+$0x1830 ss:$0x81] =	vst.msk $0xffff, v3  }
.Ltmp4:
0x3a: {  	_ = 	snop;
	(pc) =	sbr.rel .LBB1_4-.Ltmp4, $1  }
0x3b: {  	_ =	sdelay $0x3  }
.LBB1_6:
0x3c: {  	_ =	sfence.sel $0x180000  }
0x3d: {  	s2 =	simm.s32 $0x1;
	[bflag:$0x0] =	sbarrier.arrive $0xFFFF  }
0x3e: {  	s31 =	simm.s32 $0x2;
	[sflag:s2] =	ssyncpa.u1 $0x1  }
0x3f: {  	[sflag:s31] =	ssyncpa.u1 $0x1  }
0x40: {  	p0 =	sne.s32 s0, $0x0;
	_ =	strace $0x9000004A  }
0x41: {  	s0 =	sadd.s32 @!p0 $0x100000, s1;
	[bflag:$0x2] =	sbarrier.arrive $0xFFFF  }
0x42: {  	[sflag:s0] =	ssyncadd.tile.s32 @!p0 $0x1;
	_ =	shalt  }
.Lfunc_end1:
_tile_overlayer_lowered:
.L_overlay_start_2:
0x43: {  	(tag) =	ssettag $0x2  }
0x44: {  	s0 =	rddreg [dreg:$0x0];
	s2 =	stileid.u32  }
0x45: {  	s1 =	rddreg [dreg:$0x1];
	p0 =	sne.s32 s2, $0x0  }
0x46: {  	s3 =	rddreg [dreg:$0x2];
	[bflag:$0x3] =	sbarrier.arrive $0xFFFF;
	s2 =	simm.s32 @!p0 $0x1C01  }
0x47: {  	[timem:s3], [sflag:s2] =	dma.local @!p0 [hbm:s0], s1  }
0x48: {  	s0 =	simm.s32 @!p0 $0x1  }
0x49: {  	_ =	swait.ge @!p0 [sflag:s0], s1  }
0x4a: {  	s1 =	ssub.s32 @!p0 $0x0, s1;
	[sflag:s0] =	ssyncset.done @!p0 $0x0  }
0x4b: {  	[sflag:s0] =	ssyncadd.s32 @!p0 s1  }
0x4c: {  	[bflag:$0x3] =	sbarrier.arrive $0xFFFF  }
0x4d: {  	_ =	shalt  }

</sc_bundles>
